<compile_context>
chip_gen: v7x
topology: tpu7x:2x2x1
jax: 0.10.2.dev20260603
libtpu: 0.0.44.dev20260713+nightly
codegen_flags: <defaults>
</compile_context>

<pallas_src>
import functools
import random as _pyrandom

import numpy as _np
import jax
import jax.numpy as jnp
from jax import lax
from jax.experimental import pallas as pl
from jax.experimental.pallas import tpu as pltpu
from jax.experimental.pallas import tpu_sc as plsc

_PATCH = 5
_NUM_PATCHES = 20
_L = 2048
_W = 8
_H = 12
_E = 64
_HE = _H * _E
_CHUNK = 1024
_NCH = _L // _CHUNK


def _patch_layout():
    rng = _pyrandom.Random(0)
    starts = [rng.randint(0, _L - _PATCH) for _ in range(_NUM_PATCHES)]
    ivs = sorted((s, s + _PATCH) for s in starts)
    clusters = []
    cs, ce = ivs[0]
    for s, e in ivs[1:]:
        if s < ce:
            ce = max(ce, e)
        else:
            clusters.append((cs, ce))
            cs, ce = s, e
    clusters.append((cs, ce))
    C = len(clusters)
    mask = _np.zeros((C * _W, C * _W), _np.float32)
    for ci, (S, _Ec) in enumerate(clusters):
        for i in range(_W):
            r = S + i
            for j in range(_W):
                c = S + j
                if any(s <= r < s + _PATCH and s <= c < s + _PATCH
                       for s in starts):
                    mask[ci * _W + i, ci * _W + j] = 1.0
    return [S for S, _Ec in clusters], mask


_STARTS, _MASK_NP = _patch_layout()
_C = len(_STARTS)
_CW = _C * _W

_GROWS = 512
_KOFF = 256


def _gather_idx():
    qi = [S + i for S in _STARTS for i in range(_W)]
    qi = qi + [0] * (_KOFF - len(qi))
    return _np.array(qi + qi, _np.int32)


_IDX_NP = _gather_idx()

_SC_INFO = plsc.get_sparse_core_info()
_NW = _SC_INFO.num_cores * _SC_INFO.num_subcores
_BPW = _GROWS // _NW

_MESH = plsc.VectorSubcoreMesh(core_axis_name="c", subcore_axis_name="s")


@functools.partial(
    pl.kernel, mesh=_MESH,
    out_type=jax.ShapeDtypeStruct((_GROWS, _HE), jnp.float32),
    scratch_types=[
        pltpu.VMEM((_BPW,), jnp.int32),
        pltpu.VMEM((_BPW, _HE), jnp.float32),
        pltpu.SemaphoreType.DMA,
    ],
)
def _sc_gather(q_hbm, k_hbm, idx_hbm, out_hbm, idx_v, rows_v, sem):
    wid = lax.axis_index("s") * _SC_INFO.num_cores + lax.axis_index("c")
    base = wid * _BPW
    pltpu.sync_copy(idx_hbm.at[pl.ds(base, _BPW)], idx_v)

    @pl.when(wid < _NW // 2)
    def _q():
        pltpu.async_copy(q_hbm.at[idx_v], rows_v, sem).wait()

    @pl.when(wid >= _NW // 2)
    def _k():
        pltpu.async_copy(k_hbm.at[idx_v], rows_v, sem).wait()

    pltpu.sync_copy(rows_v, out_hbm.at[pl.ds(base, _BPW)])


def _body(vals_ref, gath_ref, mask_ref, out_ref, acc_ref, vw_ref, rows_ref):
    i = pl.program_id(0)

    @pl.when(i == 0)
    def _init():
        acc_ref[...] = jnp.zeros_like(acc_ref)

    @pl.when(i < _NCH)
    def _accum():
        acc_ref[...] += jnp.sum(vals_ref[...], axis=0, keepdims=True)

    for ci, S in enumerate(_STARTS):
        ch = S // _CHUNK

        @pl.when(i == ch)
        def _vcopy(ci=ci, S=S, ch=ch):
            vw_ref[ci * _W:(ci + 1) * _W, :] = \
                vals_ref[pl.ds(S - ch * _CHUNK, _W), :]

    @pl.when(i == _NCH - 1)
    def _corrections():
        qw = gath_ref[pl.ds(0, _CW), :]
        kw = gath_ref[pl.ds(_KOFF, _CW), :]
        sv = acc_ref[...]
        mask = mask_ref[...]
        neg = jnp.float32(-1e30)
        n = jnp.sum(mask, axis=1, keepdims=True)
        per_head = []
        for h in range(_H):
            qh = qw[:, h * _E:(h + 1) * _E]
            kh = kw[:, h * _E:(h + 1) * _E]
            vh = vw_ref[:, h * _E:(h + 1) * _E]
            s = jnp.dot(qh, kh.T, preferred_element_type=jnp.float32)
            sm = s * mask + (1.0 - mask) * neg
            m = jnp.maximum(jnp.max(sm, axis=1, keepdims=True), 0.0)
            p = jnp.exp(sm - m)
            sumexp = jnp.sum(p, axis=1, keepdims=True)
            em = jnp.exp(-m)
            z = (jnp.float32(_L) - n) * em + sumexp
            w = p - mask * em
            corr = jnp.dot(w, vh, preferred_element_type=jnp.float32)
            svh = sv[:, h * _E:(h + 1) * _E]
            per_head.append((em * svh + corr) / z)
        rows_ref[...] = jnp.concatenate(per_head, axis=1)

    @pl.when(i >= _NCH - 1)
    def _write_base():
        out_ref[...] = jnp.broadcast_to(acc_ref[...] * (1.0 / _L),
                                        (_CHUNK, _HE))

    for ci, S in enumerate(_STARTS):
        ch = S // _CHUNK

        @pl.when(i == _NCH - 1 + ch)
        def _store(ci=ci, S=S, ch=ch):
            out_ref[pl.ds(S - ch * _CHUNK, _W), :] = \
                rows_ref[ci * _W:(ci + 1) * _W, :]


def kernel(queries, keys, values):
    B, L, H, E = queries.shape
    HE = H * E
    q2 = queries.reshape(L, HE)
    k2 = keys.reshape(L, HE)
    vals2 = values.reshape(L, HE)

    gath = _sc_gather(q2, k2, jnp.asarray(_IDX_NP))

    out = pl.pallas_call(
        _body,
        grid=(2 * _NCH - 1,),
        in_specs=[
            pl.BlockSpec((_CHUNK, _HE), lambda i: (jnp.minimum(i, _NCH - 1), 0)),
            pl.BlockSpec((_GROWS, _HE), lambda i: (0, 0)),
            pl.BlockSpec((_CW, _CW), lambda i: (0, 0)),
        ],
        out_specs=pl.BlockSpec((_CHUNK, _HE),
                               lambda i: (jnp.maximum(i - (_NCH - 1), 0), 0)),
        out_shape=jax.ShapeDtypeStruct((L, HE), jnp.float32),
        scratch_shapes=[
            pltpu.VMEM((1, _HE), jnp.float32),
            pltpu.VMEM((_CW, _HE), jnp.float32),
            pltpu.VMEM((_CW, _HE), jnp.float32),
        ],
    )(vals2, gath, jnp.asarray(_MASK_NP))

    return (out.reshape(B, L, H, E), None)

# --- scband reference (transcript-rebuilt; emitter-appended) ---
"""Pipeline reference for scband-prob-attention-84567906058561 (READ-ONLY COPY).

The authoritative reference and input builder live on the scoring server;
editing this copy changes nothing except your own understanding.
"""

import jax, jax.numpy as jnp
import numpy as np
import random

PATCH_SIZE = 5
NUM_PATCHES = 20
PRUNE_RATE = 0.1


def setup_inputs(seed: int = 0) -> dict:
    key = jax.random.key(seed)
    kq, kk, kv = jax.random.split(key, 3)
    B, L, H, E = 1, 2048, 12, 64
    queries = jax.random.normal(kq, (B, L, H, E), dtype=jnp.float32)
    keys = jax.random.normal(kk, (B, L, H, E), dtype=jnp.float32)
    values = jax.random.normal(kv, (B, L, H, E), dtype=jnp.float32)
    return {"queries": queries, "keys": keys, "values": values}


def reference(queries, keys, values):
    # Faithful JAX translation of ProbAttention.forward (eval mode: dropout = identity,
    # attn_mask = None). The torch module uses Python's `random` for patch starts;
    # we replicate with a seeded Random(0) so the computation is deterministic.
    B, L, H, E = queries.shape
    rng = random.Random(0)
    scores = jnp.zeros((B, H, L, L), dtype=jnp.float32)
    for _ in range(NUM_PATCHES):
        start = rng.randint(0, L - PATCH_SIZE)
        end = start + PATCH_SIZE
        qb = queries[:, start:end]  # [B, p, H, E]
        kb = keys[:, start:end]     # [B, p, H, E]
        # block[b, h, i, j] = sum_e q[b, start+i, h, e] * k[b, start+j, h, e]
        block = jnp.einsum('bihe,bjhe->bhij', qb, kb)
        # torch loop assigns (overwrites) entries; overlapping patches overwrite too
        scores = scores.at[:, :, start:end, start:end].set(block)
    absolute_scores = jnp.abs(scores)
    threshold = jnp.quantile(absolute_scores, PRUNE_RATE, axis=-1, keepdims=True)
    neg_inf = jnp.asarray(-jnp.inf, dtype=scores.dtype)
    scores = jnp.where(absolute_scores < threshold, neg_inf, scores)
    # mask_flag=True but attn_mask is None -> no masking branch taken
    A = jax.nn.softmax(scores, axis=-1)  # dropout is identity in eval
    V = jnp.einsum('bhls,bshd->blhd', A, values)
    return (V, None)  # output_attention=False

if __name__ == "__main__":
    import jax
    _d = setup_inputs()
    print(jax.jit(kernel)(*tuple(_d.values())))

</pallas_src>

<mosaic_0001>
#map = affine_map<(d0, d1) -> (0, 0)>
#map1 = affine_map<(d0, d1) -> (0)>
module attributes {stable_mosaic.version = 14 : i64} {
  func.func @_sc_gather(%arg0: i32, %arg1: i32, %arg2: memref<2048x768xf32, #tpu.memory_space<hbm>>, %arg3: memref<2048x768xf32, #tpu.memory_space<hbm>>, %arg4: memref<512xi32, #tpu.memory_space<hbm>>, %arg5: memref<512x768xf32, #tpu.memory_space<hbm>>, %arg6: memref<16xi32, #tpu.memory_space<vmem>>, %arg7: memref<16x768xf32, #tpu.memory_space<vmem>>, %arg8: memref<!tpu.dma_semaphore, #tpu.memory_space<semaphore_mem>>) attributes {dimension_semantics = [#tpu.dimension_semantics<core_parallel>, #tpu.dimension_semantics<subcore_parallel>], iteration_bounds = array<i64: 2, 16>, scalar_prefetch = 0 : i64, scratch_operands = 3 : i64, tpu.core_type = #tpu.core_type<sc_vector_subcore>, window_params = [{transform_indices = #map}, {transform_indices = #map}, {transform_indices = #map1}, {transform_indices = #map}]} {
    %mul3A = arith.constant 2 : i32
    %mul3A_0 = arith.muli %arg1, %mul3A : i32
    %add3A = arith.addi %mul3A_0, %arg0 : i32
    %mul3A_1 = arith.constant 16 : i32
    %mul3A_2 = arith.muli %add3A, %mul3A_1 : i32
    "tpu.region"() ({
      %run_scoped3A = tpu.sem_alloc : memref<!tpu.dma_semaphore, #tpu.memory_space<semaphore_mem>>
      %dma_start3A = tpu.memref_slice %arg4[%mul3A_2] : memref<512xi32, #tpu.memory_space<hbm>> -> memref<16xi32, #tpu.memory_space<hbm>>
      %dma_start3A_9 = tpu.memref_slice %arg4[%mul3A_2] : memref<512xi32, #tpu.memory_space<hbm>> -> memref<16xi32, #tpu.memory_space<hbm>>
      tpu.enqueue_dma source(%dma_start3A_9 : memref<16xi32, #tpu.memory_space<hbm>>) target(%arg6 : memref<16xi32, #tpu.memory_space<vmem>>) target_semaphore(%run_scoped3A : memref<!tpu.dma_semaphore, #tpu.memory_space<semaphore_mem>>)
      %dma_wait3A = tpu.memref_slice %arg4[%mul3A_2] : memref<512xi32, #tpu.memory_space<hbm>> -> memref<16xi32, #tpu.memory_space<hbm>>
      %dma_wait3A_10 = tpu.memref_slice %arg4[%mul3A_2] : memref<512xi32, #tpu.memory_space<hbm>> -> memref<16xi32, #tpu.memory_space<hbm>>
      tpu.wait_dma2 semaphore(%run_scoped3A : memref<!tpu.dma_semaphore, #tpu.memory_space<semaphore_mem>>) src(%dma_wait3A_10 : memref<16xi32, #tpu.memory_space<hbm>>) dst(%arg6 : memref<16xi32, #tpu.memory_space<vmem>>)
      tpu.yield
    }) : () -> ()
    %lt3A = arith.constant 16 : i32
    %lt3A_3 = arith.cmpi slt, %add3A, %lt3A : i32
    %convert_element_type3A = arith.extui %lt3A_3 : i1 to i32
    %cond3A = arith.constant 0 : i32
    %cond3A_4 = arith.cmpi ne, %convert_element_type3A, %cond3A : i32
    scf.if %cond3A_4 {
      %dma_start3A = arith.constant 0 : i32
      %dma_start3A_9 = arith.constant 0 : i32
      %dma_start3A_10 = tpu.memref_slice %arg2[%dma_start3A, %dma_start3A_9] : memref<2048x768xf32, #tpu.memory_space<hbm>> -> memref<2048x768xf32, #tpu.memory_space<hbm>>
      tpu.enqueue_indirect_dma source(%dma_start3A_10 : memref<2048x768xf32, #tpu.memory_space<hbm>>) target(%arg7 : memref<16x768xf32, #tpu.memory_space<vmem>>) offsets(%arg6 : memref<16xi32, #tpu.memory_space<vmem>>) semaphore(%arg8 : memref<!tpu.dma_semaphore, #tpu.memory_space<semaphore_mem>>)
      %dma_wait3A = arith.constant 0 : i32
      %dma_wait3A_11 = arith.constant 0 : i32
      %dma_wait3A_12 = tpu.memref_slice %arg2[%dma_wait3A, %dma_wait3A_11] : memref<2048x768xf32, #tpu.memory_space<hbm>> -> memref<2048x768xf32, #tpu.memory_space<hbm>>
      tpu.wait_indirect_dma semaphore(%arg8 : memref<!tpu.dma_semaphore, #tpu.memory_space<semaphore_mem>>) src(%dma_wait3A_12 : memref<2048x768xf32, #tpu.memory_space<hbm>>) dst(%arg7 : memref<16x768xf32, #tpu.memory_space<vmem>>)
    } else {
    }
    %ge3A = arith.constant 16 : i32
    %ge3A_5 = arith.cmpi sge, %add3A, %ge3A : i32
    %convert_element_type3A_6 = arith.extui %ge3A_5 : i1 to i32
    %cond3A_7 = arith.constant 0 : i32
    %cond3A_8 = arith.cmpi ne, %convert_element_type3A_6, %cond3A_7 : i32
    scf.if %cond3A_8 {
      %dma_start3A = arith.constant 0 : i32
      %dma_start3A_9 = arith.constant 0 : i32
      %dma_start3A_10 = tpu.memref_slice %arg3[%dma_start3A, %dma_start3A_9] : memref<2048x768xf32, #tpu.memory_space<hbm>> -> memref<2048x768xf32, #tpu.memory_space<hbm>>
      tpu.enqueue_indirect_dma source(%dma_start3A_10 : memref<2048x768xf32, #tpu.memory_space<hbm>>) target(%arg7 : memref<16x768xf32, #tpu.memory_space<vmem>>) offsets(%arg6 : memref<16xi32, #tpu.memory_space<vmem>>) semaphore(%arg8 : memref<!tpu.dma_semaphore, #tpu.memory_space<semaphore_mem>>)
      %dma_wait3A = arith.constant 0 : i32
      %dma_wait3A_11 = arith.constant 0 : i32
      %dma_wait3A_12 = tpu.memref_slice %arg3[%dma_wait3A, %dma_wait3A_11] : memref<2048x768xf32, #tpu.memory_space<hbm>> -> memref<2048x768xf32, #tpu.memory_space<hbm>>
      tpu.wait_indirect_dma semaphore(%arg8 : memref<!tpu.dma_semaphore, #tpu.memory_space<semaphore_mem>>) src(%dma_wait3A_12 : memref<2048x768xf32, #tpu.memory_space<hbm>>) dst(%arg7 : memref<16x768xf32, #tpu.memory_space<vmem>>)
    } else {
    }
    "tpu.region"() ({
      %run_scoped3A = tpu.sem_alloc : memref<!tpu.dma_semaphore, #tpu.memory_space<semaphore_mem>>
      %dma_start3A = arith.constant 0 : i32
      %dma_start3A_9 = tpu.memref_slice %arg5[%mul3A_2, %dma_start3A] : memref<512x768xf32, #tpu.memory_space<hbm>> -> memref<16x768xf32, #tpu.memory_space<hbm>>
      %dma_start3A_10 = arith.constant 0 : i32
      %dma_start3A_11 = tpu.memref_slice %arg5[%mul3A_2, %dma_start3A_10] : memref<512x768xf32, #tpu.memory_space<hbm>> -> memref<16x768xf32, #tpu.memory_space<hbm>>
      tpu.enqueue_dma source(%arg7 : memref<16x768xf32, #tpu.memory_space<vmem>>) target(%dma_start3A_11 : memref<16x768xf32, #tpu.memory_space<hbm>>) target_semaphore(%run_scoped3A : memref<!tpu.dma_semaphore, #tpu.memory_space<semaphore_mem>>)
      %dma_wait3A = arith.constant 0 : i32
      %dma_wait3A_12 = tpu.memref_slice %arg5[%mul3A_2, %dma_wait3A] : memref<512x768xf32, #tpu.memory_space<hbm>> -> memref<16x768xf32, #tpu.memory_space<hbm>>
      %dma_wait3A_13 = arith.constant 0 : i32
      %dma_wait3A_14 = tpu.memref_slice %arg5[%mul3A_2, %dma_wait3A_13] : memref<512x768xf32, #tpu.memory_space<hbm>> -> memref<16x768xf32, #tpu.memory_space<hbm>>
      tpu.wait_dma2 semaphore(%run_scoped3A : memref<!tpu.dma_semaphore, #tpu.memory_space<semaphore_mem>>) src(%arg7 : memref<16x768xf32, #tpu.memory_space<vmem>>) dst(%dma_wait3A_14 : memref<16x768xf32, #tpu.memory_space<hbm>>)
      tpu.yield
    }) : () -> ()
    return
  }
}

module attributes {stable_mosaic.version = 14 : i64} {
  func.func @_body(%arg0: i32, %arg1: memref<1024x768xf32, #tpu.memory_space<vmem>>, %arg2: memref<512x768xf32, #tpu.memory_space<vmem>>, %arg3: memref<152x152xf32, #tpu.memory_space<vmem>>, %arg4: memref<1024x768xf32, #tpu.memory_space<vmem>>, %arg5: memref<1x768xf32, #tpu.memory_space<vmem>>, %arg6: memref<152x768xf32, #tpu.memory_space<vmem>>, %arg7: memref<152x768xf32, #tpu.memory_space<vmem>>) attributes {dimension_semantics = [#tpu.dimension_semantics<arbitrary>], iteration_bounds = array<i64: 3>, scalar_prefetch = 0 : i64, scratch_operands = 3 : i64, tpu.core_type = #tpu.core_type<tc>, window_params = [{transform_indices = @transform_0, window_bounds = array<i64: 1024, 768>}, {pipeline_mode = #tpu.pipeline_mode<synchronous>, transform_indices = @transform_1, window_bounds = array<i64: 512, 768>}, {pipeline_mode = #tpu.pipeline_mode<synchronous>, transform_indices = @transform_2, window_bounds = array<i64: 152, 152>}, {transform_indices = @transform_3, window_bounds = array<i64: 1024, 768>}]} {
    %eq3A = arith.constant 0 : i32
    %eq3A_0 = arith.cmpi eq, %arg0, %eq3A : i32
    %convert_element_type3A = arith.extui %eq3A_0 : i1 to i32
    %cond3A = arith.constant 0 : i32
    %cond3A_1 = arith.cmpi ne, %convert_element_type3A, %cond3A : i32
    scf.if %cond3A_1 {
      %broadcast_in_dim3A = arith.constant 0.000000e+00 : f32
      %broadcast_in_dim3A_205 = vector.broadcast %broadcast_in_dim3A : f32 to vector<1x768xf32>
      %swap3A = arith.constant 0 : index
      %swap3A_206 = arith.constant 0 : index
      %swap3A_207 = vector.load %arg5[%swap3A, %swap3A_206] : memref<1x768xf32, #tpu.memory_space<vmem>>, vector<1x768xf32>
      tpu.vector_store %arg5[%swap3A, %swap3A_206], %broadcast_in_dim3A_205 {strides = array<i32>} : memref<1x768xf32, #tpu.memory_space<vmem>>, vector<1x768xf32>,
    } else {
    }
    %lt3A = arith.constant 2 : i32
    %lt3A_2 = arith.cmpi slt, %arg0, %lt3A : i32
    %convert_element_type3A_3 = arith.extui %lt3A_2 : i1 to i32
    %cond3A_4 = arith.constant 0 : i32
    %cond3A_5 = arith.cmpi ne, %convert_element_type3A_3, %cond3A_4 : i32
    scf.if %cond3A_5 {
      %get3A = arith.constant 0 : index
      %get3A_205 = arith.constant 0 : index
      %get3A_206 = vector.load %arg5[%get3A, %get3A_205] : memref<1x768xf32, #tpu.memory_space<vmem>>, vector<1x768xf32>
      %get3A_207 = arith.constant 0 : index
      %get3A_208 = arith.constant 0 : index
      %get3A_209 = vector.load %arg1[%get3A_207, %get3A_208] : memref<1024x768xf32, #tpu.memory_space<vmem>>, vector<1024x768xf32>
      %reduce_sum3A = arith.constant dense<0.000000e+00> : vector<768xf32>
      %reduce_sum3A_210 = vector.multi_reduction <add>, %get3A_209, %reduce_sum3A [0] : vector<1024x768xf32> to vector<768xf32>
      %broadcast_in_dim3A = vector.shape_cast %reduce_sum3A_210 : vector<768xf32> to vector<1x768xf32>
      %add3A = arith.addf %get3A_206, %broadcast_in_dim3A : vector<1x768xf32>
      %swap3A = arith.constant 0 : index
      %swap3A_211 = arith.constant 0 : index
      %swap3A_212 = vector.load %arg5[%swap3A, %swap3A_211] : memref<1x768xf32, #tpu.memory_space<vmem>>, vector<1x768xf32>
      tpu.vector_store %arg5[%swap3A, %swap3A_211], %add3A {strides = array<i32>} : memref<1x768xf32, #tpu.memory_space<vmem>>, vector<1x768xf32>,
    } else {
    }
    %eq3A_6 = arith.constant 0 : i32
    %eq3A_7 = arith.cmpi eq, %arg0, %eq3A_6 : i32
    %convert_element_type3A_8 = arith.extui %eq3A_7 : i1 to i32
    %cond3A_9 = arith.constant 0 : i32
    %cond3A_10 = arith.cmpi ne, %convert_element_type3A_8, %cond3A_9 : i32
    scf.if %cond3A_10 {
      %get3A = arith.constant 82 : index
      %get3A_205 = arith.constant 0 : index
      %get3A_206 = vector.load %arg1[%get3A, %get3A_205] : memref<1024x768xf32, #tpu.memory_space<vmem>>, vector<8x768xf32>
      %swap3A = arith.constant 0 : index
      %swap3A_207 = arith.constant 0 : index
      %swap3A_208 = vector.load %arg6[%swap3A, %swap3A_207] : memref<152x768xf32, #tpu.memory_space<vmem>>, vector<8x768xf32>
      tpu.vector_store %arg6[%swap3A, %swap3A_207], %get3A_206 {strides = array<i32>} : memref<152x768xf32, #tpu.memory_space<vmem>>, vector<8x768xf32>,
    } else {
    }
    %eq3A_11 = arith.constant 0 : i32
    %eq3A_12 = arith.cmpi eq, %arg0, %eq3A_11 : i32
    %convert_element_type3A_13 = arith.extui %eq3A_12 : i1 to i32
    %cond3A_14 = arith.constant 0 : i32
    %cond3A_15 = arith.cmpi ne, %convert_element_type3A_13, %cond3A_14 : i32
    scf.if %cond3A_15 {
      %get3A = arith.constant 530 : index
      %get3A_205 = arith.constant 0 : index
      %get3A_206 = vector.load %arg1[%get3A, %get3A_205] : memref<1024x768xf32, #tpu.memory_space<vmem>>, vector<8x768xf32>
      %swap3A = arith.constant 8 : index
      %swap3A_207 = arith.constant 0 : index
      %swap3A_208 = vector.load %arg6[%swap3A, %swap3A_207] : memref<152x768xf32, #tpu.memory_space<vmem>>, vector<8x768xf32>
      tpu.vector_store %arg6[%swap3A, %swap3A_207], %get3A_206 {strides = array<i32>} : memref<152x768xf32, #tpu.memory_space<vmem>>, vector<8x768xf32>,
    } else {
    }
    %eq3A_16 = arith.constant 0 : i32
    %eq3A_17 = arith.cmpi eq, %arg0, %eq3A_16 : i32
    %convert_element_type3A_18 = arith.extui %eq3A_17 : i1 to i32
    %cond3A_19 = arith.constant 0 : i32
    %cond3A_20 = arith.cmpi ne, %convert_element_type3A_18, %cond3A_19 : i32
    scf.if %cond3A_20 {
      %get3A = arith.constant 621 : index
      %get3A_205 = arith.constant 0 : index
      %get3A_206 = vector.load %arg1[%get3A, %get3A_205] : memref<1024x768xf32, #tpu.memory_space<vmem>>, vector<8x768xf32>
      %swap3A = arith.constant 16 : index
      %swap3A_207 = arith.constant 0 : index
      %swap3A_208 = vector.load %arg6[%swap3A, %swap3A_207] : memref<152x768xf32, #tpu.memory_space<vmem>>, vector<8x768xf32>
      tpu.vector_store %arg6[%swap3A, %swap3A_207], %get3A_206 {strides = array<i32>} : memref<152x768xf32, #tpu.memory_space<vmem>>, vector<8x768xf32>,
    } else {
    }
    %eq3A_21 = arith.constant 0 : i32
    %eq3A_22 = arith.cmpi eq, %arg0, %eq3A_21 : i32
    %convert_element_type3A_23 = arith.extui %eq3A_22 : i1 to i32
    %cond3A_24 = arith.constant 0 : i32
    %cond3A_25 = arith.cmpi ne, %convert_element_type3A_23, %cond3A_24 : i32
    scf.if %cond3A_25 {
      %get3A = arith.constant 733 : index
      %get3A_205 = arith.constant 0 : index
      %get3A_206 = vector.load %arg1[%get3A, %get3A_205] : memref<1024x768xf32, #tpu.memory_space<vmem>>, vector<8x768xf32>
      %swap3A = arith.constant 24 : index
      %swap3A_207 = arith.constant 0 : index
      %swap3A_208 = vector.load %arg6[%swap3A, %swap3A_207] : memref<152x768xf32, #tpu.memory_space<vmem>>, vector<8x768xf32>
      tpu.vector_store %arg6[%swap3A, %swap3A_207], %get3A_206 {strides = array<i32>} : memref<152x768xf32, #tpu.memory_space<vmem>>, vector<8x768xf32>,
    } else {
    }
    %eq3A_26 = arith.constant 0 : i32
    %eq3A_27 = arith.cmpi eq, %arg0, %eq3A_26 : i32
    %convert_element_type3A_28 = arith.extui %eq3A_27 : i1 to i32
    %cond3A_29 = arith.constant 0 : i32
    %cond3A_30 = arith.cmpi ne, %convert_element_type3A_28, %cond3A_29 : i32
    scf.if %cond3A_30 {
      %get3A = arith.constant 788 : index
      %get3A_205 = arith.constant 0 : index
      %get3A_206 = vector.load %arg1[%get3A, %get3A_205] : memref<1024x768xf32, #tpu.memory_space<vmem>>, vector<8x768xf32>
      %swap3A = arith.constant 32 : index
      %swap3A_207 = arith.constant 0 : index
      %swap3A_208 = vector.load %arg6[%swap3A, %swap3A_207] : memref<152x768xf32, #tpu.memory_space<vmem>>, vector<8x768xf32>
      tpu.vector_store %arg6[%swap3A, %swap3A_207], %get3A_206 {strides = array<i32>} : memref<152x768xf32, #tpu.memory_space<vmem>>, vector<8x768xf32>,
    } else {
    }
    %eq3A_31 = arith.constant 0 : i32
    %eq3A_32 = arith.cmpi eq, %arg0, %eq3A_31 : i32
    %convert_element_type3A_33 = arith.extui %eq3A_32 : i1 to i32
    %cond3A_34 = arith.constant 0 : i32
    %cond3A_35 = arith.cmpi ne, %convert_element_type3A_33, %cond3A_34 : i32
    scf.if %cond3A_35 {
      %get3A = arith.constant 829 : index
      %get3A_205 = arith.constant 0 : index
      %get3A_206 = vector.load %arg1[%get3A, %get3A_205] : memref<1024x768xf32, #tpu.memory_space<vmem>>, vector<8x768xf32>
      %swap3A = arith.constant 40 : index
      %swap3A_207 = arith.constant 0 : index
      %swap3A_208 = vector.load %arg6[%swap3A, %swap3A_207] : memref<152x768xf32, #tpu.memory_space<vmem>>, vector<8x768xf32>
      tpu.vector_store %arg6[%swap3A, %swap3A_207], %get3A_206 {strides = array<i32>} : memref<152x768xf32, #tpu.memory_space<vmem>>, vector<8x768xf32>,
    } else {
    }
    %eq3A_36 = arith.constant 0 : i32
    %eq3A_37 = arith.cmpi eq, %arg0, %eq3A_36 : i32
    %convert_element_type3A_38 = arith.extui %eq3A_37 : i1 to i32
    %cond3A_39 = arith.constant 0 : i32
    %cond3A_40 = arith.cmpi ne, %convert_element_type3A_38, %cond3A_39 : i32
    scf.if %cond3A_40 {
      %get3A = arith.constant 861 : index
      %get3A_205 = arith.constant 0 : index
      %get3A_206 = vector.load %arg1[%get3A, %get3A_205] : memref<1024x768xf32, #tpu.memory_space<vmem>>, vector<8x768xf32>
      %swap3A = arith.constant 48 : index
      %swap3A_207 = arith.constant 0 : index
      %swap3A_208 = vector.load %arg6[%swap3A, %swap3A_207] : memref<152x768xf32, #tpu.memory_space<vmem>>, vector<8x768xf32>
      tpu.vector_store %arg6[%swap3A, %swap3A_207], %get3A_206 {strides = array<i32>} : memref<152x768xf32, #tpu.memory_space<vmem>>, vector<8x768xf32>,
    } else {
    }
    %eq3A_41 = arith.constant 0 : i32
    %eq3A_42 = arith.cmpi eq, %arg0, %eq3A_41 : i32
    %convert_element_type3A_43 = arith.extui %eq3A_42 : i1 to i32
    %cond3A_44 = arith.constant 0 : i32
    %cond3A_45 = arith.cmpi ne, %convert_element_type3A_43, %cond3A_44 : i32
    scf.if %cond3A_45 {
      %get3A = arith.constant 976 : index
      %get3A_205 = arith.constant 0 : index
      %get3A_206 = vector.load %arg1[%get3A, %get3A_205] : memref<1024x768xf32, #tpu.memory_space<vmem>>, vector<8x768xf32>
      %swap3A = arith.constant 56 : index
      %swap3A_207 = arith.constant 0 : index
      %swap3A_208 = vector.load %arg6[%swap3A, %swap3A_207] : memref<152x768xf32, #tpu.memory_space<vmem>>, vector<8x768xf32>
      tpu.vector_store %arg6[%swap3A, %swap3A_207], %get3A_206 {strides = array<i32>} : memref<152x768xf32, #tpu.memory_space<vmem>>, vector<8x768xf32>,
    } else {
    }
    %eq3A_46 = arith.constant 0 : i32
    %eq3A_47 = arith.cmpi eq, %arg0, %eq3A_46 : i32
    %convert_element_type3A_48 = arith.extui %eq3A_47 : i1 to i32
    %cond3A_49 = arith.constant 0 : i32
    %cond3A_50 = arith.cmpi ne, %convert_element_type3A_48, %cond3A_49 : i32
    scf.if %cond3A_50 {
      %get3A = arith.constant 995 : index
      %get3A_205 = arith.constant 0 : index
      %get3A_206 = vector.load %arg1[%get3A, %get3A_205] : memref<1024x768xf32, #tpu.memory_space<vmem>>, vector<8x768xf32>
      %swap3A = arith.constant 64 : index
      %swap3A_207 = arith.constant 0 : index
      %swap3A_208 = vector.load %arg6[%swap3A, %swap3A_207] : memref<152x768xf32, #tpu.memory_space<vmem>>, vector<8x768xf32>
      tpu.vector_store %arg6[%swap3A, %swap3A_207], %get3A_206 {strides = array<i32>} : memref<152x768xf32, #tpu.memory_space<vmem>>, vector<8x768xf32>,
    } else {
    }
    %eq3A_51 = arith.constant 1 : i32
    %eq3A_52 = arith.cmpi eq, %arg0, %eq3A_51 : i32
    %convert_element_type3A_53 = arith.extui %eq3A_52 : i1 to i32
    %cond3A_54 = arith.constant 0 : i32
    %cond3A_55 = arith.cmpi ne, %convert_element_type3A_53, %cond3A_54 : i32
    scf.if %cond3A_55 {
      %get3A = arith.constant 23 : index
      %get3A_205 = arith.constant 0 : index
      %get3A_206 = vector.load %arg1[%get3A, %get3A_205] : memref<1024x768xf32, #tpu.memory_space<vmem>>, vector<8x768xf32>
      %swap3A = arith.constant 72 : index
      %swap3A_207 = arith.constant 0 : index
      %swap3A_208 = vector.load %arg6[%swap3A, %swap3A_207] : memref<152x768xf32, #tpu.memory_space<vmem>>, vector<8x768xf32>
      tpu.vector_store %arg6[%swap3A, %swap3A_207], %get3A_206 {strides = array<i32>} : memref<152x768xf32, #tpu.memory_space<vmem>>, vector<8x768xf32>,
    } else {
    }
    %eq3A_56 = arith.constant 1 : i32
    %eq3A_57 = arith.cmpi eq, %arg0, %eq3A_56 : i32
    %convert_element_type3A_58 = arith.extui %eq3A_57 : i1 to i32
    %cond3A_59 = arith.constant 0 : i32
    %cond3A_60 = arith.cmpi ne, %convert_element_type3A_58, %cond3A_59 : i32
    scf.if %cond3A_60 {
      %get3A = arith.constant 170 : index
      %get3A_205 = arith.constant 0 : index
      %get3A_206 = vector.load %arg1[%get3A, %get3A_205] : memref<1024x768xf32, #tpu.memory_space<vmem>>, vector<8x768xf32>
      %swap3A = arith.constant 80 : index
      %swap3A_207 = arith.constant 0 : index
      %swap3A_208 = vector.load %arg6[%swap3A, %swap3A_207] : memref<152x768xf32, #tpu.memory_space<vmem>>, vector<8x768xf32>
      tpu.vector_store %arg6[%swap3A, %swap3A_207], %get3A_206 {strides = array<i32>} : memref<152x768xf32, #tpu.memory_space<vmem>>, vector<8x768xf32>,
    } else {
    }
    %eq3A_61 = arith.constant 1 : i32
    %eq3A_62 = arith.cmpi eq, %arg0, %eq3A_61 : i32
    %convert_element_type3A_63 = arith.extui %eq3A_62 : i1 to i32
    %cond3A_64 = arith.constant 0 : i32
    %cond3A_65 = arith.cmpi ne, %convert_element_type3A_63, %cond3A_64 : i32
    scf.if %cond3A_65 {
      %get3A = arith.constant 528 : index
      %get3A_205 = arith.constant 0 : index
      %get3A_206 = vector.load %arg1[%get3A, %get3A_205] : memref<1024x768xf32, #tpu.memory_space<vmem>>, vector<8x768xf32>
      %swap3A = arith.constant 88 : index
      %swap3A_207 = arith.constant 0 : index
      %swap3A_208 = vector.load %arg6[%swap3A, %swap3A_207] : memref<152x768xf32, #tpu.memory_space<vmem>>, vector<8x768xf32>
      tpu.vector_store %arg6[%swap3A, %swap3A_207], %get3A_206 {strides = array<i32>} : memref<152x768xf32, #tpu.memory_space<vmem>>, vector<8x768xf32>,
    } else {
    }
    %eq3A_66 = arith.constant 1 : i32
    %eq3A_67 = arith.cmpi eq, %arg0, %eq3A_66 : i32
    %convert_element_type3A_68 = arith.extui %eq3A_67 : i1 to i32
    %cond3A_69 = arith.constant 0 : i32
    %cond3A_70 = arith.cmpi ne, %convert_element_type3A_68, %cond3A_69 : i32
    scf.if %cond3A_70 {
      %get3A = arith.constant 581 : index
      %get3A_205 = arith.constant 0 : index
      %get3A_206 = vector.load %arg1[%get3A, %get3A_205] : memref<1024x768xf32, #tpu.memory_space<vmem>>, vector<8x768xf32>
      %swap3A = arith.constant 96 : index
      %swap3A_207 = arith.constant 0 : index
      %swap3A_208 = vector.load %arg6[%swap3A, %swap3A_207] : memref<152x768xf32, #tpu.memory_space<vmem>>, vector<8x768xf32>
      tpu.vector_store %arg6[%swap3A, %swap3A_207], %get3A_206 {strides = array<i32>} : memref<152x768xf32, #tpu.memory_space<vmem>>, vector<8x768xf32>,
    } else {
    }
    %eq3A_71 = arith.constant 1 : i32
    %eq3A_72 = arith.cmpi eq, %arg0, %eq3A_71 : i32
    %convert_element_type3A_73 = arith.extui %eq3A_72 : i1 to i32
    %cond3A_74 = arith.constant 0 : i32
    %cond3A_75 = arith.cmpi ne, %convert_element_type3A_73, %cond3A_74 : i32
    scf.if %cond3A_75 {
      %get3A = arith.constant 675 : index
      %get3A_205 = arith.constant 0 : index
      %get3A_206 = vector.load %arg1[%get3A, %get3A_205] : memref<1024x768xf32, #tpu.memory_space<vmem>>, vector<8x768xf32>
      %swap3A = arith.constant 104 : index
      %swap3A_207 = arith.constant 0 : index
      %swap3A_208 = vector.load %arg6[%swap3A, %swap3A_207] : memref<152x768xf32, #tpu.memory_space<vmem>>, vector<8x768xf32>
      tpu.vector_store %arg6[%swap3A, %swap3A_207], %get3A_206 {strides = array<i32>} : memref<152x768xf32, #tpu.memory_space<vmem>>, vector<8x768xf32>,
    } else {
    }
    %eq3A_76 = arith.constant 1 : i32
    %eq3A_77 = arith.cmpi eq, %arg0, %eq3A_76 : i32
    %convert_element_type3A_78 = arith.extui %eq3A_77 : i1 to i32
    %cond3A_79 = arith.constant 0 : i32
    %cond3A_80 = arith.cmpi ne, %convert_element_type3A_78, %cond3A_79 : i32
    scf.if %cond3A_80 {
      %get3A = arith.constant 705 : index
      %get3A_205 = arith.constant 0 : index
      %get3A_206 = vector.load %arg1[%get3A, %get3A_205] : memref<1024x768xf32, #tpu.memory_space<vmem>>, vector<8x768xf32>
      %swap3A = arith.constant 112 : index
      %swap3A_207 = arith.constant 0 : index
      %swap3A_208 = vector.load %arg6[%swap3A, %swap3A_207] : memref<152x768xf32, #tpu.memory_space<vmem>>, vector<8x768xf32>
      tpu.vector_store %arg6[%swap3A, %swap3A_207], %get3A_206 {strides = array<i32>} : memref<152x768xf32, #tpu.memory_space<vmem>>, vector<8x768xf32>,
    } else {
    }
    %eq3A_81 = arith.constant 1 : i32
    %eq3A_82 = arith.cmpi eq, %arg0, %eq3A_81 : i32
    %convert_element_type3A_83 = arith.extui %eq3A_82 : i1 to i32
    %cond3A_84 = arith.constant 0 : i32
    %cond3A_85 = arith.cmpi ne, %convert_element_type3A_83, %cond3A_84 : i32
    scf.if %cond3A_85 {
      %get3A = arith.constant 799 : index
      %get3A_205 = arith.constant 0 : index
      %get3A_206 = vector.load %arg1[%get3A, %get3A_205] : memref<1024x768xf32, #tpu.memory_space<vmem>>, vector<8x768xf32>
      %swap3A = arith.constant 120 : index
      %swap3A_207 = arith.constant 0 : index
      %swap3A_208 = vector.load %arg6[%swap3A, %swap3A_207] : memref<152x768xf32, #tpu.memory_space<vmem>>, vector<8x768xf32>
      tpu.vector_store %arg6[%swap3A, %swap3A_207], %get3A_206 {strides = array<i32>} : memref<152x768xf32, #tpu.memory_space<vmem>>, vector<8x768xf32>,
    } else {
    }
    %eq3A_86 = arith.constant 1 : i32
    %eq3A_87 = arith.cmpi eq, %arg0, %eq3A_86 : i32
    %convert_element_type3A_88 = arith.extui %eq3A_87 : i1 to i32
    %cond3A_89 = arith.constant 0 : i32
    %cond3A_90 = arith.cmpi ne, %convert_element_type3A_88, %cond3A_89 : i32
    scf.if %cond3A_90 {
      %get3A = arith.constant 856 : index
      %get3A_205 = arith.constant 0 : index
      %get3A_206 = vector.load %arg1[%get3A, %get3A_205] : memref<1024x768xf32, #tpu.memory_space<vmem>>, vector<8x768xf32>
      %swap3A = arith.constant 128 : index
      %swap3A_207 = arith.constant 0 : index
      %swap3A_208 = vector.load %arg6[%swap3A, %swap3A_207] : memref<152x768xf32, #tpu.memory_space<vmem>>, vector<8x768xf32>
      tpu.vector_store %arg6[%swap3A, %swap3A_207], %get3A_206 {strides = array<i32>} : memref<152x768xf32, #tpu.memory_space<vmem>>, vector<8x768xf32>,
    } else {
    }
    %eq3A_91 = arith.constant 1 : i32
    %eq3A_92 = arith.cmpi eq, %arg0, %eq3A_91 : i32
    %convert_element_type3A_93 = arith.extui %eq3A_92 : i1 to i32
    %cond3A_94 = arith.constant 0 : i32
    %cond3A_95 = arith.cmpi ne, %convert_element_type3A_93, %cond3A_94 : i32
    scf.if %cond3A_95 {
      %get3A = arith.constant 953 : index
      %get3A_205 = arith.constant 0 : index
      %get3A_206 = vector.load %arg1[%get3A, %get3A_205] : memref<1024x768xf32, #tpu.memory_space<vmem>>, vector<8x768xf32>
      %swap3A = arith.constant 136 : index
      %swap3A_207 = arith.constant 0 : index
      %swap3A_208 = vector.load %arg6[%swap3A, %swap3A_207] : memref<152x768xf32, #tpu.memory_space<vmem>>, vector<8x768xf32>
      tpu.vector_store %arg6[%swap3A, %swap3A_207], %get3A_206 {strides = array<i32>} : memref<152x768xf32, #tpu.memory_space<vmem>>, vector<8x768xf32>,
    } else {
    }
    %eq3A_96 = arith.constant 1 : i32
    %eq3A_97 = arith.cmpi eq, %arg0, %eq3A_96 : i32
    %convert_element_type3A_98 = arith.extui %eq3A_97 : i1 to i32
    %cond3A_99 = arith.constant 0 : i32
    %cond3A_100 = arith.cmpi ne, %convert_element_type3A_98, %cond3A_99 : i32
    scf.if %cond3A_100 {
      %get3A = arith.constant 958 : index
      %get3A_205 = arith.constant 0 : index
      %get3A_206 = vector.load %arg1[%get3A, %get3A_205] : memref<1024x768xf32, #tpu.memory_space<vmem>>, vector<8x768xf32>
      %swap3A = arith.constant 144 : index
      %swap3A_207 = arith.constant 0 : index
      %swap3A_208 = vector.load %arg6[%swap3A, %swap3A_207] : memref<152x768xf32, #tpu.memory_space<vmem>>, vector<8x768xf32>
      tpu.vector_store %arg6[%swap3A, %swap3A_207], %get3A_206 {strides = array<i32>} : memref<152x768xf32, #tpu.memory_space<vmem>>, vector<8x768xf32>,
    } else {
    }
    %eq3A_101 = arith.constant 1 : i32
    %eq3A_102 = arith.cmpi eq, %arg0, %eq3A_101 : i32
    %convert_element_type3A_103 = arith.extui %eq3A_102 : i1 to i32
    %cond3A_104 = arith.constant 0 : i32
    %cond3A_105 = arith.cmpi ne, %convert_element_type3A_103, %cond3A_104 : i32
    scf.if %cond3A_105 {
      %get3A = arith.constant 0 : index
      %get3A_205 = arith.constant 0 : index
      %get3A_206 = vector.load %arg2[%get3A, %get3A_205] : memref<512x768xf32, #tpu.memory_space<vmem>>, vector<152x768xf32>
      %get3A_207 = arith.constant 256 : index
      %get3A_208 = arith.constant 0 : index
      %get3A_209 = vector.load %arg2[%get3A_207, %get3A_208] : memref<512x768xf32, #tpu.memory_space<vmem>>, vector<152x768xf32>
      %get3A_210 = arith.constant 0 : index
      %get3A_211 = arith.constant 0 : index
      %get3A_212 = vector.load %arg5[%get3A_210, %get3A_211] : memref<1x768xf32, #tpu.memory_space<vmem>>, vector<1x768xf32>
      %get3A_213 = arith.constant 0 : index
      %get3A_214 = arith.constant 0 : index
      %get3A_215 = vector.load %arg3[%get3A_213, %get3A_214] : memref<152x152xf32, #tpu.memory_space<vmem>>, vector<152x152xf32>
      %reduce_sum3A = arith.constant dense<0.000000e+00> : vector<152xf32>
      %reduce_sum3A_216 = vector.multi_reduction <add>, %get3A_215, %reduce_sum3A [1] : vector<152x152xf32> to vector<152xf32>
      %broadcast_in_dim3A = vector.shape_cast %reduce_sum3A_216 : vector<152xf32> to vector<152x1xf32>
      %slice3A = vector.extract_strided_slice %get3A_206 {offsets = [0, 0], sizes = [152, 64], strides = [1, 1]} : vector<152x768xf32> to vector<152x64xf32>
      %slice3A_217 = vector.extract_strided_slice %get3A_209 {offsets = [0, 0], sizes = [152, 64], strides = [1, 1]} : vector<152x768xf32> to vector<152x64xf32>
      %get3A_218 = arith.constant 0 : index
      %get3A_219 = arith.constant 0 : index
      %get3A_220 = vector.load %arg6[%get3A_218, %get3A_219] : memref<152x768xf32, #tpu.memory_space<vmem>>, vector<152x64xf32>
      %transpose3A = tpu.transpose %slice3A_217, [1, 0] : vector<152x64xf32> -> vector<64x152xf32>
      %dot_general3A = arith.constant dense<0.000000e+00> : vector<152x152xf32>
      %dot_general3A_221 = tpu.matmul %slice3A, %transpose3A, %dot_general3A {dimension_numbers = #tpu.dot_dimension_numbers<[1], [0], [0], [1], [0, 0, 1, 1], [], []>, transpose_lhs_hint = false} : vector<152x64xf32>, vector<64x152xf32>, vector<152x152xf32> -> vector<152x152xf32>
      %mul3A = arith.mulf %dot_general3A_221, %get3A_215 : vector<152x152xf32>
      %sub3A = arith.constant 1.000000e+00 : f32
      %sub3A_222 = vector.broadcast %sub3A : f32 to vector<152x152xf32>
      %sub3A_223 = arith.subf %sub3A_222, %get3A_215 : vector<152x152xf32>
      %mul3A_224 = arith.constant -1.000000e+30 : f32
      %mul3A_225 = vector.broadcast %mul3A_224 : f32 to vector<152x152xf32>
      %mul3A_226 = arith.mulf %sub3A_223, %mul3A_225 : vector<152x152xf32>
      %add3A = arith.addf %mul3A, %mul3A_226 : vector<152x152xf32>
      %reduce_max3A = arith.constant dense<0xFF800000> : vector<152xf32>
      %reduce_max3A_227 = vector.multi_reduction <maximumf>, %add3A, %reduce_max3A [1] : vector<152x152xf32> to vector<152xf32>
      %broadcast_in_dim3A_228 = vector.shape_cast %reduce_max3A_227 : vector<152xf32> to vector<152x1xf32>
      %max3A = arith.constant 0.000000e+00 : f32
      %max3A_229 = vector.broadcast %max3A : f32 to vector<152x1xf32>
      %max3A_230 = arith.maximumf %broadcast_in_dim3A_228, %max3A_229 : vector<152x1xf32>
      %sub3A_231 = vector.broadcast %max3A_230 : vector<152x1xf32> to vector<152x152xf32>
      %sub3A_232 = arith.subf %add3A, %sub3A_231 : vector<152x152xf32>
      %exp3A = math.exp %sub3A_232 : vector<152x152xf32>
      %reduce_sum3A_233 = arith.constant dense<0.000000e+00> : vector<152xf32>
      %reduce_sum3A_234 = vector.multi_reduction <add>, %exp3A, %reduce_sum3A_233 [1] : vector<152x152xf32> to vector<152xf32>
      %broadcast_in_dim3A_235 = vector.shape_cast %reduce_sum3A_234 : vector<152xf32> to vector<152x1xf32>
      %neg3A = arith.constant 0.000000e+00 : f32
      %neg3A_236 = vector.broadcast %neg3A : f32 to vector<152x1xf32>
      %neg3A_237 = arith.subf %neg3A_236, %max3A_230 : vector<152x1xf32>
      %exp3A_238 = math.exp %neg3A_237 : vector<152x1xf32>
      %sub3A_239 = arith.constant 2.048000e+03 : f32
      %sub3A_240 = vector.broadcast %sub3A_239 : f32 to vector<152x1xf32>
      %sub3A_241 = arith.subf %sub3A_240, %broadcast_in_dim3A : vector<152x1xf32>
      %mul3A_242 = arith.mulf %sub3A_241, %exp3A_238 : vector<152x1xf32>
      %add3A_243 = arith.addf %mul3A_242, %broadcast_in_dim3A_235 : vector<152x1xf32>
      %mul3A_244 = vector.broadcast %exp3A_238 : vector<152x1xf32> to vector<152x152xf32>
      %mul3A_245 = arith.mulf %get3A_215, %mul3A_244 : vector<152x152xf32>
      %sub3A_246 = arith.subf %exp3A, %mul3A_245 : vector<152x152xf32>
      %dot_general3A_247 = arith.constant dense<0.000000e+00> : vector<152x64xf32>
      %dot_general3A_248 = tpu.matmul %sub3A_246, %get3A_220, %dot_general3A_247 {dimension_numbers = #tpu.dot_dimension_numbers<[1], [0], [0], [1], [0, 0, 1, 1], [], []>, transpose_lhs_hint = false} : vector<152x152xf32>, vector<152x64xf32>, vector<152x64xf32> -> vector<152x64xf32>
      %slice3A_249 = vector.extract_strided_slice %get3A_212 {offsets = [0, 0], sizes = [1, 64], strides = [1, 1]} : vector<1x768xf32> to vector<1x64xf32>
      %mul3A_250 = vector.broadcast %exp3A_238 : vector<152x1xf32> to vector<152x64xf32>
      %mul3A_251 = vector.broadcast %slice3A_249 : vector<1x64xf32> to vector<152x64xf32>
      %mul3A_252 = arith.mulf %mul3A_250, %mul3A_251 : vector<152x64xf32>
      %add3A_253 = arith.addf %mul3A_252, %dot_general3A_248 : vector<152x64xf32>
      %div3A = vector.broadcast %add3A_243 : vector<152x1xf32> to vector<152x64xf32>
      %div3A_254 = arith.divf %add3A_253, %div3A : vector<152x64xf32>
      %slice3A_255 = vector.extract_strided_slice %get3A_206 {offsets = [0, 64], sizes = [152, 64], strides = [1, 1]} : vector<152x768xf32> to vector<152x64xf32>
      %slice3A_256 = vector.extract_strided_slice %get3A_209 {offsets = [0, 64], sizes = [152, 64], strides = [1, 1]} : vector<152x768xf32> to vector<152x64xf32>
      %get3A_257 = arith.constant 0 : index
      %get3A_258 = arith.constant 64 : index
      %get3A_259 = vector.load %arg6[%get3A_257, %get3A_258] : memref<152x768xf32, #tpu.memory_space<vmem>>, vector<152x64xf32>
      %transpose3A_260 = tpu.transpose %slice3A_256, [1, 0] : vector<152x64xf32> -> vector<64x152xf32>
      %dot_general3A_261 = arith.constant dense<0.000000e+00> : vector<152x152xf32>
      %dot_general3A_262 = tpu.matmul %slice3A_255, %transpose3A_260, %dot_general3A_261 {dimension_numbers = #tpu.dot_dimension_numbers<[1], [0], [0], [1], [0, 0, 1, 1], [], []>, transpose_lhs_hint = false} : vector<152x64xf32>, vector<64x152xf32>, vector<152x152xf32> -> vector<152x152xf32>
      %mul3A_263 = arith.mulf %dot_general3A_262, %get3A_215 : vector<152x152xf32>
      %sub3A_264 = arith.constant 1.000000e+00 : f32
      %sub3A_265 = vector.broadcast %sub3A_264 : f32 to vector<152x152xf32>
      %sub3A_266 = arith.subf %sub3A_265, %get3A_215 : vector<152x152xf32>
      %mul3A_267 = arith.constant -1.000000e+30 : f32
      %mul3A_268 = vector.broadcast %mul3A_267 : f32 to vector<152x152xf32>
      %mul3A_269 = arith.mulf %sub3A_266, %mul3A_268 : vector<152x152xf32>
      %add3A_270 = arith.addf %mul3A_263, %mul3A_269 : vector<152x152xf32>
      %reduce_max3A_271 = arith.constant dense<0xFF800000> : vector<152xf32>
      %reduce_max3A_272 = vector.multi_reduction <maximumf>, %add3A_270, %reduce_max3A_271 [1] : vector<152x152xf32> to vector<152xf32>
      %broadcast_in_dim3A_273 = vector.shape_cast %reduce_max3A_272 : vector<152xf32> to vector<152x1xf32>
      %max3A_274 = arith.constant 0.000000e+00 : f32
      %max3A_275 = vector.broadcast %max3A_274 : f32 to vector<152x1xf32>
      %max3A_276 = arith.maximumf %broadcast_in_dim3A_273, %max3A_275 : vector<152x1xf32>
      %sub3A_277 = vector.broadcast %max3A_276 : vector<152x1xf32> to vector<152x152xf32>
      %sub3A_278 = arith.subf %add3A_270, %sub3A_277 : vector<152x152xf32>
      %exp3A_279 = math.exp %sub3A_278 : vector<152x152xf32>
      %reduce_sum3A_280 = arith.constant dense<0.000000e+00> : vector<152xf32>
      %reduce_sum3A_281 = vector.multi_reduction <add>, %exp3A_279, %reduce_sum3A_280 [1] : vector<152x152xf32> to vector<152xf32>
      %broadcast_in_dim3A_282 = vector.shape_cast %reduce_sum3A_281 : vector<152xf32> to vector<152x1xf32>
      %neg3A_283 = arith.constant 0.000000e+00 : f32
      %neg3A_284 = vector.broadcast %neg3A_283 : f32 to vector<152x1xf32>
      %neg3A_285 = arith.subf %neg3A_284, %max3A_276 : vector<152x1xf32>
      %exp3A_286 = math.exp %neg3A_285 : vector<152x1xf32>
      %sub3A_287 = arith.constant 2.048000e+03 : f32
      %sub3A_288 = vector.broadcast %sub3A_287 : f32 to vector<152x1xf32>
      %sub3A_289 = arith.subf %sub3A_288, %broadcast_in_dim3A : vector<152x1xf32>
      %mul3A_290 = arith.mulf %sub3A_289, %exp3A_286 : vector<152x1xf32>
      %add3A_291 = arith.addf %mul3A_290, %broadcast_in_dim3A_282 : vector<152x1xf32>
      %mul3A_292 = vector.broadcast %exp3A_286 : vector<152x1xf32> to vector<152x152xf32>
      %mul3A_293 = arith.mulf %get3A_215, %mul3A_292 : vector<152x152xf32>
      %sub3A_294 = arith.subf %exp3A_279, %mul3A_293 : vector<152x152xf32>
      %dot_general3A_295 = arith.constant dense<0.000000e+00> : vector<152x64xf32>
      %dot_general3A_296 = tpu.matmul %sub3A_294, %get3A_259, %dot_general3A_295 {dimension_numbers = #tpu.dot_dimension_numbers<[1], [0], [0], [1], [0, 0, 1, 1], [], []>, transpose_lhs_hint = false} : vector<152x152xf32>, vector<152x64xf32>, vector<152x64xf32> -> vector<152x64xf32>
      %slice3A_297 = vector.extract_strided_slice %get3A_212 {offsets = [0, 64], sizes = [1, 64], strides = [1, 1]} : vector<1x768xf32> to vector<1x64xf32>
      %mul3A_298 = vector.broadcast %exp3A_286 : vector<152x1xf32> to vector<152x64xf32>
      %mul3A_299 = vector.broadcast %slice3A_297 : vector<1x64xf32> to vector<152x64xf32>
      %mul3A_300 = arith.mulf %mul3A_298, %mul3A_299 : vector<152x64xf32>
      %add3A_301 = arith.addf %mul3A_300, %dot_general3A_296 : vector<152x64xf32>
      %div3A_302 = vector.broadcast %add3A_291 : vector<152x1xf32> to vector<152x64xf32>
      %div3A_303 = arith.divf %add3A_301, %div3A_302 : vector<152x64xf32>
      %slice3A_304 = vector.extract_strided_slice %get3A_206 {offsets = [0, 128], sizes = [152, 64], strides = [1, 1]} : vector<152x768xf32> to vector<152x64xf32>
      %slice3A_305 = vector.extract_strided_slice %get3A_209 {offsets = [0, 128], sizes = [152, 64], strides = [1, 1]} : vector<152x768xf32> to vector<152x64xf32>
      %get3A_306 = arith.constant 0 : index
      %get3A_307 = arith.constant 128 : index
      %get3A_308 = vector.load %arg6[%get3A_306, %get3A_307] : memref<152x768xf32, #tpu.memory_space<vmem>>, vector<152x64xf32>
      %transpose3A_309 = tpu.transpose %slice3A_305, [1, 0] : vector<152x64xf32> -> vector<64x152xf32>
      %dot_general3A_310 = arith.constant dense<0.000000e+00> : vector<152x152xf32>
      %dot_general3A_311 = tpu.matmul %slice3A_304, %transpose3A_309, %dot_general3A_310 {dimension_numbers = #tpu.dot_dimension_numbers<[1], [0], [0], [1], [0, 0, 1, 1], [], []>, transpose_lhs_hint = false} : vector<152x64xf32>, vector<64x152xf32>, vector<152x152xf32> -> vector<152x152xf32>
      %mul3A_312 = arith.mulf %dot_general3A_311, %get3A_215 : vector<152x152xf32>
      %sub3A_313 = arith.constant 1.000000e+00 : f32
      %sub3A_314 = vector.broadcast %sub3A_313 : f32 to vector<152x152xf32>
      %sub3A_315 = arith.subf %sub3A_314, %get3A_215 : vector<152x152xf32>
      %mul3A_316 = arith.constant -1.000000e+30 : f32
      %mul3A_317 = vector.broadcast %mul3A_316 : f32 to vector<152x152xf32>
      %mul3A_318 = arith.mulf %sub3A_315, %mul3A_317 : vector<152x152xf32>
      %add3A_319 = arith.addf %mul3A_312, %mul3A_318 : vector<152x152xf32>
      %reduce_max3A_320 = arith.constant dense<0xFF800000> : vector<152xf32>
      %reduce_max3A_321 = vector.multi_reduction <maximumf>, %add3A_319, %reduce_max3A_320 [1] : vector<152x152xf32> to vector<152xf32>
      %broadcast_in_dim3A_322 = vector.shape_cast %reduce_max3A_321 : vector<152xf32> to vector<152x1xf32>
      %max3A_323 = arith.constant 0.000000e+00 : f32
      %max3A_324 = vector.broadcast %max3A_323 : f32 to vector<152x1xf32>
      %max3A_325 = arith.maximumf %broadcast_in_dim3A_322, %max3A_324 : vector<152x1xf32>
      %sub3A_326 = vector.broadcast %max3A_325 : vector<152x1xf32> to vector<152x152xf32>
      %sub3A_327 = arith.subf %add3A_319, %sub3A_326 : vector<152x152xf32>
      %exp3A_328 = math.exp %sub3A_327 : vector<152x152xf32>
      %reduce_sum3A_329 = arith.constant dense<0.000000e+00> : vector<152xf32>
      %reduce_sum3A_330 = vector.multi_reduction <add>, %exp3A_328, %reduce_sum3A_329 [1] : vector<152x152xf32> to vector<152xf32>
      %broadcast_in_dim3A_331 = vector.shape_cast %reduce_sum3A_330 : vector<152xf32> to vector<152x1xf32>
      %neg3A_332 = arith.constant 0.000000e+00 : f32
      %neg3A_333 = vector.broadcast %neg3A_332 : f32 to vector<152x1xf32>
      %neg3A_334 = arith.subf %neg3A_333, %max3A_325 : vector<152x1xf32>
      %exp3A_335 = math.exp %neg3A_334 : vector<152x1xf32>
      %sub3A_336 = arith.constant 2.048000e+03 : f32
      %sub3A_337 = vector.broadcast %sub3A_336 : f32 to vector<152x1xf32>
      %sub3A_338 = arith.subf %sub3A_337, %broadcast_in_dim3A : vector<152x1xf32>
      %mul3A_339 = arith.mulf %sub3A_338, %exp3A_335 : vector<152x1xf32>
      %add3A_340 = arith.addf %mul3A_339, %broadcast_in_dim3A_331 : vector<152x1xf32>
      %mul3A_341 = vector.broadcast %exp3A_335 : vector<152x1xf32> to vector<152x152xf32>
      %mul3A_342 = arith.mulf %get3A_215, %mul3A_341 : vector<152x152xf32>
      %sub3A_343 = arith.subf %exp3A_328, %mul3A_342 : vector<152x152xf32>
      %dot_general3A_344 = arith.constant dense<0.000000e+00> : vector<152x64xf32>
      %dot_general3A_345 = tpu.matmul %sub3A_343, %get3A_308, %dot_general3A_344 {dimension_numbers = #tpu.dot_dimension_numbers<[1], [0], [0], [1], [0, 0, 1, 1], [], []>, transpose_lhs_hint = false} : vector<152x152xf32>, vector<152x64xf32>, vector<152x64xf32> -> vector<152x64xf32>
      %slice3A_346 = vector.extract_strided_slice %get3A_212 {offsets = [0, 128], sizes = [1, 64], strides = [1, 1]} : vector<1x768xf32> to vector<1x64xf32>
      %mul3A_347 = vector.broadcast %exp3A_335 : vector<152x1xf32> to vector<152x64xf32>
      %mul3A_348 = vector.broadcast %slice3A_346 : vector<1x64xf32> to vector<152x64xf32>
      %mul3A_349 = arith.mulf %mul3A_347, %mul3A_348 : vector<152x64xf32>
      %add3A_350 = arith.addf %mul3A_349, %dot_general3A_345 : vector<152x64xf32>
      %div3A_351 = vector.broadcast %add3A_340 : vector<152x1xf32> to vector<152x64xf32>
      %div3A_352 = arith.divf %add3A_350, %div3A_351 : vector<152x64xf32>
      %slice3A_353 = vector.extract_strided_slice %get3A_206 {offsets = [0, 192], sizes = [152, 64], strides = [1, 1]} : vector<152x768xf32> to vector<152x64xf32>
      %slice3A_354 = vector.extract_strided_slice %get3A_209 {offsets = [0, 192], sizes = [152, 64], strides = [1, 1]} : vector<152x768xf32> to vector<152x64xf32>
      %get3A_355 = arith.constant 0 : index
      %get3A_356 = arith.constant 192 : index
      %get3A_357 = vector.load %arg6[%get3A_355, %get3A_356] : memref<152x768xf32, #tpu.memory_space<vmem>>, vector<152x64xf32>
      %transpose3A_358 = tpu.transpose %slice3A_354, [1, 0] : vector<152x64xf32> -> vector<64x152xf32>
      %dot_general3A_359 = arith.constant dense<0.000000e+00> : vector<152x152xf32>
      %dot_general3A_360 = tpu.matmul %slice3A_353, %transpose3A_358, %dot_general3A_359 {dimension_numbers = #tpu.dot_dimension_numbers<[1], [0], [0], [1], [0, 0, 1, 1], [], []>, transpose_lhs_hint = false} : vector<152x64xf32>, vector<64x152xf32>, vector<152x152xf32> -> vector<152x152xf32>
      %mul3A_361 = arith.mulf %dot_general3A_360, %get3A_215 : vector<152x152xf32>
      %sub3A_362 = arith.constant 1.000000e+00 : f32
      %sub3A_363 = vector.broadcast %sub3A_362 : f32 to vector<152x152xf32>
      %sub3A_364 = arith.subf %sub3A_363, %get3A_215 : vector<152x152xf32>
      %mul3A_365 = arith.constant -1.000000e+30 : f32
      %mul3A_366 = vector.broadcast %mul3A_365 : f32 to vector<152x152xf32>
      %mul3A_367 = arith.mulf %sub3A_364, %mul3A_366 : vector<152x152xf32>
      %add3A_368 = arith.addf %mul3A_361, %mul3A_367 : vector<152x152xf32>
      %reduce_max3A_369 = arith.constant dense<0xFF800000> : vector<152xf32>
      %reduce_max3A_370 = vector.multi_reduction <maximumf>, %add3A_368, %reduce_max3A_369 [1] : vector<152x152xf32> to vector<152xf32>
      %broadcast_in_dim3A_371 = vector.shape_cast %reduce_max3A_370 : vector<152xf32> to vector<152x1xf32>
      %max3A_372 = arith.constant 0.000000e+00 : f32
      %max3A_373 = vector.broadcast %max3A_372 : f32 to vector<152x1xf32>
      %max3A_374 = arith.maximumf %broadcast_in_dim3A_371, %max3A_373 : vector<152x1xf32>
      %sub3A_375 = vector.broadcast %max3A_374 : vector<152x1xf32> to vector<152x152xf32>
      %sub3A_376 = arith.subf %add3A_368, %sub3A_375 : vector<152x152xf32>
      %exp3A_377 = math.exp %sub3A_376 : vector<152x152xf32>
      %reduce_sum3A_378 = arith.constant dense<0.000000e+00> : vector<152xf32>
      %reduce_sum3A_379 = vector.multi_reduction <add>, %exp3A_377, %reduce_sum3A_378 [1] : vector<152x152xf32> to vector<152xf32>
      %broadcast_in_dim3A_380 = vector.shape_cast %reduce_sum3A_379 : vector<152xf32> to vector<152x1xf32>
      %neg3A_381 = arith.constant 0.000000e+00 : f32
      %neg3A_382 = vector.broadcast %neg3A_381 : f32 to vector<152x1xf32>
      %neg3A_383 = arith.subf %neg3A_382, %max3A_374 : vector<152x1xf32>
      %exp3A_384 = math.exp %neg3A_383 : vector<152x1xf32>
      %sub3A_385 = arith.constant 2.048000e+03 : f32
      %sub3A_386 = vector.broadcast %sub3A_385 : f32 to vector<152x1xf32>
      %sub3A_387 = arith.subf %sub3A_386, %broadcast_in_dim3A : vector<152x1xf32>
      %mul3A_388 = arith.mulf %sub3A_387, %exp3A_384 : vector<152x1xf32>
      %add3A_389 = arith.addf %mul3A_388, %broadcast_in_dim3A_380 : vector<152x1xf32>
      %mul3A_390 = vector.broadcast %exp3A_384 : vector<152x1xf32> to vector<152x152xf32>
      %mul3A_391 = arith.mulf %get3A_215, %mul3A_390 : vector<152x152xf32>
      %sub3A_392 = arith.subf %exp3A_377, %mul3A_391 : vector<152x152xf32>
      %dot_general3A_393 = arith.constant dense<0.000000e+00> : vector<152x64xf32>
      %dot_general3A_394 = tpu.matmul %sub3A_392, %get3A_357, %dot_general3A_393 {dimension_numbers = #tpu.dot_dimension_numbers<[1], [0], [0], [1], [0, 0, 1, 1], [], []>, transpose_lhs_hint = false} : vector<152x152xf32>, vector<152x64xf32>, vector<152x64xf32> -> vector<152x64xf32>
      %slice3A_395 = vector.extract_strided_slice %get3A_212 {offsets = [0, 192], sizes = [1, 64], strides = [1, 1]} : vector<1x768xf32> to vector<1x64xf32>
      %mul3A_396 = vector.broadcast %exp3A_384 : vector<152x1xf32> to vector<152x64xf32>
      %mul3A_397 = vector.broadcast %slice3A_395 : vector<1x64xf32> to vector<152x64xf32>
      %mul3A_398 = arith.mulf %mul3A_396, %mul3A_397 : vector<152x64xf32>
      %add3A_399 = arith.addf %mul3A_398, %dot_general3A_394 : vector<152x64xf32>
      %div3A_400 = vector.broadcast %add3A_389 : vector<152x1xf32> to vector<152x64xf32>
      %div3A_401 = arith.divf %add3A_399, %div3A_400 : vector<152x64xf32>
      %slice3A_402 = vector.extract_strided_slice %get3A_206 {offsets = [0, 256], sizes = [152, 64], strides = [1, 1]} : vector<152x768xf32> to vector<152x64xf32>
      %slice3A_403 = vector.extract_strided_slice %get3A_209 {offsets = [0, 256], sizes = [152, 64], strides = [1, 1]} : vector<152x768xf32> to vector<152x64xf32>
      %get3A_404 = arith.constant 0 : index
      %get3A_405 = arith.constant 256 : index
      %get3A_406 = vector.load %arg6[%get3A_404, %get3A_405] : memref<152x768xf32, #tpu.memory_space<vmem>>, vector<152x64xf32>
      %transpose3A_407 = tpu.transpose %slice3A_403, [1, 0] : vector<152x64xf32> -> vector<64x152xf32>
      %dot_general3A_408 = arith.constant dense<0.000000e+00> : vector<152x152xf32>
      %dot_general3A_409 = tpu.matmul %slice3A_402, %transpose3A_407, %dot_general3A_408 {dimension_numbers = #tpu.dot_dimension_numbers<[1], [0], [0], [1], [0, 0, 1, 1], [], []>, transpose_lhs_hint = false} : vector<152x64xf32>, vector<64x152xf32>, vector<152x152xf32> -> vector<152x152xf32>
      %mul3A_410 = arith.mulf %dot_general3A_409, %get3A_215 : vector<152x152xf32>
      %sub3A_411 = arith.constant 1.000000e+00 : f32
      %sub3A_412 = vector.broadcast %sub3A_411 : f32 to vector<152x152xf32>
      %sub3A_413 = arith.subf %sub3A_412, %get3A_215 : vector<152x152xf32>
      %mul3A_414 = arith.constant -1.000000e+30 : f32
      %mul3A_415 = vector.broadcast %mul3A_414 : f32 to vector<152x152xf32>
      %mul3A_416 = arith.mulf %sub3A_413, %mul3A_415 : vector<152x152xf32>
      %add3A_417 = arith.addf %mul3A_410, %mul3A_416 : vector<152x152xf32>
      %reduce_max3A_418 = arith.constant dense<0xFF800000> : vector<152xf32>
      %reduce_max3A_419 = vector.multi_reduction <maximumf>, %add3A_417, %reduce_max3A_418 [1] : vector<152x152xf32> to vector<152xf32>
      %broadcast_in_dim3A_420 = vector.shape_cast %reduce_max3A_419 : vector<152xf32> to vector<152x1xf32>
      %max3A_421 = arith.constant 0.000000e+00 : f32
      %max3A_422 = vector.broadcast %max3A_421 : f32 to vector<152x1xf32>
      %max3A_423 = arith.maximumf %broadcast_in_dim3A_420, %max3A_422 : vector<152x1xf32>
      %sub3A_424 = vector.broadcast %max3A_423 : vector<152x1xf32> to vector<152x152xf32>
      %sub3A_425 = arith.subf %add3A_417, %sub3A_424 : vector<152x152xf32>
      %exp3A_426 = math.exp %sub3A_425 : vector<152x152xf32>
      %reduce_sum3A_427 = arith.constant dense<0.000000e+00> : vector<152xf32>
      %reduce_sum3A_428 = vector.multi_reduction <add>, %exp3A_426, %reduce_sum3A_427 [1] : vector<152x152xf32> to vector<152xf32>
      %broadcast_in_dim3A_429 = vector.shape_cast %reduce_sum3A_428 : vector<152xf32> to vector<152x1xf32>
      %neg3A_430 = arith.constant 0.000000e+00 : f32
      %neg3A_431 = vector.broadcast %neg3A_430 : f32 to vector<152x1xf32>
      %neg3A_432 = arith.subf %neg3A_431, %max3A_423 : vector<152x1xf32>
      %exp3A_433 = math.exp %neg3A_432 : vector<152x1xf32>
      %sub3A_434 = arith.constant 2.048000e+03 : f32
      %sub3A_435 = vector.broadcast %sub3A_434 : f32 to vector<152x1xf32>
      %sub3A_436 = arith.subf %sub3A_435, %broadcast_in_dim3A : vector<152x1xf32>
      %mul3A_437 = arith.mulf %sub3A_436, %exp3A_433 : vector<152x1xf32>
      %add3A_438 = arith.addf %mul3A_437, %broadcast_in_dim3A_429 : vector<152x1xf32>
      %mul3A_439 = vector.broadcast %exp3A_433 : vector<152x1xf32> to vector<152x152xf32>
      %mul3A_440 = arith.mulf %get3A_215, %mul3A_439 : vector<152x152xf32>
      %sub3A_441 = arith.subf %exp3A_426, %mul3A_440 : vector<152x152xf32>
      %dot_general3A_442 = arith.constant dense<0.000000e+00> : vector<152x64xf32>
      %dot_general3A_443 = tpu.matmul %sub3A_441, %get3A_406, %dot_general3A_442 {dimension_numbers = #tpu.dot_dimension_numbers<[1], [0], [0], [1], [0, 0, 1, 1], [], []>, transpose_lhs_hint = false} : vector<152x152xf32>, vector<152x64xf32>, vector<152x64xf32> -> vector<152x64xf32>
      %slice3A_444 = vector.extract_strided_slice %get3A_212 {offsets = [0, 256], sizes = [1, 64], strides = [1, 1]} : vector<1x768xf32> to vector<1x64xf32>
      %mul3A_445 = vector.broadcast %exp3A_433 : vector<152x1xf32> to vector<152x64xf32>
      %mul3A_446 = vector.broadcast %slice3A_444 : vector<1x64xf32> to vector<152x64xf32>
      %mul3A_447 = arith.mulf %mul3A_445, %mul3A_446 : vector<152x64xf32>
      %add3A_448 = arith.addf %mul3A_447, %dot_general3A_443 : vector<152x64xf32>
      %div3A_449 = vector.broadcast %add3A_438 : vector<152x1xf32> to vector<152x64xf32>
      %div3A_450 = arith.divf %add3A_448, %div3A_449 : vector<152x64xf32>
      %slice3A_451 = vector.extract_strided_slice %get3A_206 {offsets = [0, 320], sizes = [152, 64], strides = [1, 1]} : vector<152x768xf32> to vector<152x64xf32>
      %slice3A_452 = vector.extract_strided_slice %get3A_209 {offsets = [0, 320], sizes = [152, 64], strides = [1, 1]} : vector<152x768xf32> to vector<152x64xf32>
      %get3A_453 = arith.constant 0 : index
      %get3A_454 = arith.constant 320 : index
      %get3A_455 = vector.load %arg6[%get3A_453, %get3A_454] : memref<152x768xf32, #tpu.memory_space<vmem>>, vector<152x64xf32>
      %transpose3A_456 = tpu.transpose %slice3A_452, [1, 0] : vector<152x64xf32> -> vector<64x152xf32>
      %dot_general3A_457 = arith.constant dense<0.000000e+00> : vector<152x152xf32>
      %dot_general3A_458 = tpu.matmul %slice3A_451, %transpose3A_456, %dot_general3A_457 {dimension_numbers = #tpu.dot_dimension_numbers<[1], [0], [0], [1], [0, 0, 1, 1], [], []>, transpose_lhs_hint = false} : vector<152x64xf32>, vector<64x152xf32>, vector<152x152xf32> -> vector<152x152xf32>
      %mul3A_459 = arith.mulf %dot_general3A_458, %get3A_215 : vector<152x152xf32>
      %sub3A_460 = arith.constant 1.000000e+00 : f32
      %sub3A_461 = vector.broadcast %sub3A_460 : f32 to vector<152x152xf32>
      %sub3A_462 = arith.subf %sub3A_461, %get3A_215 : vector<152x152xf32>
      %mul3A_463 = arith.constant -1.000000e+30 : f32
      %mul3A_464 = vector.broadcast %mul3A_463 : f32 to vector<152x152xf32>
      %mul3A_465 = arith.mulf %sub3A_462, %mul3A_464 : vector<152x152xf32>
      %add3A_466 = arith.addf %mul3A_459, %mul3A_465 : vector<152x152xf32>
      %reduce_max3A_467 = arith.constant dense<0xFF800000> : vector<152xf32>
      %reduce_max3A_468 = vector.multi_reduction <maximumf>, %add3A_466, %reduce_max3A_467 [1] : vector<152x152xf32> to vector<152xf32>
      %broadcast_in_dim3A_469 = vector.shape_cast %reduce_max3A_468 : vector<152xf32> to vector<152x1xf32>
      %max3A_470 = arith.constant 0.000000e+00 : f32
      %max3A_471 = vector.broadcast %max3A_470 : f32 to vector<152x1xf32>
      %max3A_472 = arith.maximumf %broadcast_in_dim3A_469, %max3A_471 : vector<152x1xf32>
      %sub3A_473 = vector.broadcast %max3A_472 : vector<152x1xf32> to vector<152x152xf32>
      %sub3A_474 = arith.subf %add3A_466, %sub3A_473 : vector<152x152xf32>
      %exp3A_475 = math.exp %sub3A_474 : vector<152x152xf32>
      %reduce_sum3A_476 = arith.constant dense<0.000000e+00> : vector<152xf32>
      %reduce_sum3A_477 = vector.multi_reduction <add>, %exp3A_475, %reduce_sum3A_476 [1] : vector<152x152xf32> to vector<152xf32>
      %broadcast_in_dim3A_478 = vector.shape_cast %reduce_sum3A_477 : vector<152xf32> to vector<152x1xf32>
      %neg3A_479 = arith.constant 0.000000e+00 : f32
      %neg3A_480 = vector.broadcast %neg3A_479 : f32 to vector<152x1xf32>
      %neg3A_481 = arith.subf %neg3A_480, %max3A_472 : vector<152x1xf32>
      %exp3A_482 = math.exp %neg3A_481 : vector<152x1xf32>
      %sub3A_483 = arith.constant 2.048000e+03 : f32
      %sub3A_484 = vector.broadcast %sub3A_483 : f32 to vector<152x1xf32>
      %sub3A_485 = arith.subf %sub3A_484, %broadcast_in_dim3A : vector<152x1xf32>
      %mul3A_486 = arith.mulf %sub3A_485, %exp3A_482 : vector<152x1xf32>
      %add3A_487 = arith.addf %mul3A_486, %broadcast_in_dim3A_478 : vector<152x1xf32>
      %mul3A_488 = vector.broadcast %exp3A_482 : vector<152x1xf32> to vector<152x152xf32>
      %mul3A_489 = arith.mulf %get3A_215, %mul3A_488 : vector<152x152xf32>
      %sub3A_490 = arith.subf %exp3A_475, %mul3A_489 : vector<152x152xf32>
      %dot_general3A_491 = arith.constant dense<0.000000e+00> : vector<152x64xf32>
      %dot_general3A_492 = tpu.matmul %sub3A_490, %get3A_455, %dot_general3A_491 {dimension_numbers = #tpu.dot_dimension_numbers<[1], [0], [0], [1], [0, 0, 1, 1], [], []>, transpose_lhs_hint = false} : vector<152x152xf32>, vector<152x64xf32>, vector<152x64xf32> -> vector<152x64xf32>
      %slice3A_493 = vector.extract_strided_slice %get3A_212 {offsets = [0, 320], sizes = [1, 64], strides = [1, 1]} : vector<1x768xf32> to vector<1x64xf32>
      %mul3A_494 = vector.broadcast %exp3A_482 : vector<152x1xf32> to vector<152x64xf32>
      %mul3A_495 = vector.broadcast %slice3A_493 : vector<1x64xf32> to vector<152x64xf32>
      %mul3A_496 = arith.mulf %mul3A_494, %mul3A_495 : vector<152x64xf32>
      %add3A_497 = arith.addf %mul3A_496, %dot_general3A_492 : vector<152x64xf32>
      %div3A_498 = vector.broadcast %add3A_487 : vector<152x1xf32> to vector<152x64xf32>
      %div3A_499 = arith.divf %add3A_497, %div3A_498 : vector<152x64xf32>
      %slice3A_500 = vector.extract_strided_slice %get3A_206 {offsets = [0, 384], sizes = [152, 64], strides = [1, 1]} : vector<152x768xf32> to vector<152x64xf32>
      %slice3A_501 = vector.extract_strided_slice %get3A_209 {offsets = [0, 384], sizes = [152, 64], strides = [1, 1]} : vector<152x768xf32> to vector<152x64xf32>
      %get3A_502 = arith.constant 0 : index
      %get3A_503 = arith.constant 384 : index
      %get3A_504 = vector.load %arg6[%get3A_502, %get3A_503] : memref<152x768xf32, #tpu.memory_space<vmem>>, vector<152x64xf32>
      %transpose3A_505 = tpu.transpose %slice3A_501, [1, 0] : vector<152x64xf32> -> vector<64x152xf32>
      %dot_general3A_506 = arith.constant dense<0.000000e+00> : vector<152x152xf32>
      %dot_general3A_507 = tpu.matmul %slice3A_500, %transpose3A_505, %dot_general3A_506 {dimension_numbers = #tpu.dot_dimension_numbers<[1], [0], [0], [1], [0, 0, 1, 1], [], []>, transpose_lhs_hint = false} : vector<152x64xf32>, vector<64x152xf32>, vector<152x152xf32> -> vector<152x152xf32>
      %mul3A_508 = arith.mulf %dot_general3A_507, %get3A_215 : vector<152x152xf32>
      %sub3A_509 = arith.constant 1.000000e+00 : f32
      %sub3A_510 = vector.broadcast %sub3A_509 : f32 to vector<152x152xf32>
      %sub3A_511 = arith.subf %sub3A_510, %get3A_215 : vector<152x152xf32>
      %mul3A_512 = arith.constant -1.000000e+30 : f32
      %mul3A_513 = vector.broadcast %mul3A_512 : f32 to vector<152x152xf32>
      %mul3A_514 = arith.mulf %sub3A_511, %mul3A_513 : vector<152x152xf32>
      %add3A_515 = arith.addf %mul3A_508, %mul3A_514 : vector<152x152xf32>
      %reduce_max3A_516 = arith.constant dense<0xFF800000> : vector<152xf32>
      %reduce_max3A_517 = vector.multi_reduction <maximumf>, %add3A_515, %reduce_max3A_516 [1] : vector<152x152xf32> to vector<152xf32>
      %broadcast_in_dim3A_518 = vector.shape_cast %reduce_max3A_517 : vector<152xf32> to vector<152x1xf32>
      %max3A_519 = arith.constant 0.000000e+00 : f32
      %max3A_520 = vector.broadcast %max3A_519 : f32 to vector<152x1xf32>
      %max3A_521 = arith.maximumf %broadcast_in_dim3A_518, %max3A_520 : vector<152x1xf32>
      %sub3A_522 = vector.broadcast %max3A_521 : vector<152x1xf32> to vector<152x152xf32>
      %sub3A_523 = arith.subf %add3A_515, %sub3A_522 : vector<152x152xf32>
      %exp3A_524 = math.exp %sub3A_523 : vector<152x152xf32>
      %reduce_sum3A_525 = arith.constant dense<0.000000e+00> : vector<152xf32>
      %reduce_sum3A_526 = vector.multi_reduction <add>, %exp3A_524, %reduce_sum3A_525 [1] : vector<152x152xf32> to vector<152xf32>
      %broadcast_in_dim3A_527 = vector.shape_cast %reduce_sum3A_526 : vector<152xf32> to vector<152x1xf32>
      %neg3A_528 = arith.constant 0.000000e+00 : f32
      %neg3A_529 = vector.broadcast %neg3A_528 : f32 to vector<152x1xf32>
      %neg3A_530 = arith.subf %neg3A_529, %max3A_521 : vector<152x1xf32>
      %exp3A_531 = math.exp %neg3A_530 : vector<152x1xf32>
      %sub3A_532 = arith.constant 2.048000e+03 : f32
      %sub3A_533 = vector.broadcast %sub3A_532 : f32 to vector<152x1xf32>
      %sub3A_534 = arith.subf %sub3A_533, %broadcast_in_dim3A : vector<152x1xf32>
      %mul3A_535 = arith.mulf %sub3A_534, %exp3A_531 : vector<152x1xf32>
      %add3A_536 = arith.addf %mul3A_535, %broadcast_in_dim3A_527 : vector<152x1xf32>
      %mul3A_537 = vector.broadcast %exp3A_531 : vector<152x1xf32> to vector<152x152xf32>
      %mul3A_538 = arith.mulf %get3A_215, %mul3A_537 : vector<152x152xf32>
      %sub3A_539 = arith.subf %exp3A_524, %mul3A_538 : vector<152x152xf32>
      %dot_general3A_540 = arith.constant dense<0.000000e+00> : vector<152x64xf32>
      %dot_general3A_541 = tpu.matmul %sub3A_539, %get3A_504, %dot_general3A_540 {dimension_numbers = #tpu.dot_dimension_numbers<[1], [0], [0], [1], [0, 0, 1, 1], [], []>, transpose_lhs_hint = false} : vector<152x152xf32>, vector<152x64xf32>, vector<152x64xf32> -> vector<152x64xf32>
      %slice3A_542 = vector.extract_strided_slice %get3A_212 {offsets = [0, 384], sizes = [1, 64], strides = [1, 1]} : vector<1x768xf32> to vector<1x64xf32>
      %mul3A_543 = vector.broadcast %exp3A_531 : vector<152x1xf32> to vector<152x64xf32>
      %mul3A_544 = vector.broadcast %slice3A_542 : vector<1x64xf32> to vector<152x64xf32>
      %mul3A_545 = arith.mulf %mul3A_543, %mul3A_544 : vector<152x64xf32>
      %add3A_546 = arith.addf %mul3A_545, %dot_general3A_541 : vector<152x64xf32>
      %div3A_547 = vector.broadcast %add3A_536 : vector<152x1xf32> to vector<152x64xf32>
      %div3A_548 = arith.divf %add3A_546, %div3A_547 : vector<152x64xf32>
      %slice3A_549 = vector.extract_strided_slice %get3A_206 {offsets = [0, 448], sizes = [152, 64], strides = [1, 1]} : vector<152x768xf32> to vector<152x64xf32>
      %slice3A_550 = vector.extract_strided_slice %get3A_209 {offsets = [0, 448], sizes = [152, 64], strides = [1, 1]} : vector<152x768xf32> to vector<152x64xf32>
      %get3A_551 = arith.constant 0 : index
      %get3A_552 = arith.constant 448 : index
      %get3A_553 = vector.load %arg6[%get3A_551, %get3A_552] : memref<152x768xf32, #tpu.memory_space<vmem>>, vector<152x64xf32>
      %transpose3A_554 = tpu.transpose %slice3A_550, [1, 0] : vector<152x64xf32> -> vector<64x152xf32>
      %dot_general3A_555 = arith.constant dense<0.000000e+00> : vector<152x152xf32>
      %dot_general3A_556 = tpu.matmul %slice3A_549, %transpose3A_554, %dot_general3A_555 {dimension_numbers = #tpu.dot_dimension_numbers<[1], [0], [0], [1], [0, 0, 1, 1], [], []>, transpose_lhs_hint = false} : vector<152x64xf32>, vector<64x152xf32>, vector<152x152xf32> -> vector<152x152xf32>
      %mul3A_557 = arith.mulf %dot_general3A_556, %get3A_215 : vector<152x152xf32>
      %sub3A_558 = arith.constant 1.000000e+00 : f32
      %sub3A_559 = vector.broadcast %sub3A_558 : f32 to vector<152x152xf32>
      %sub3A_560 = arith.subf %sub3A_559, %get3A_215 : vector<152x152xf32>
      %mul3A_561 = arith.constant -1.000000e+30 : f32
      %mul3A_562 = vector.broadcast %mul3A_561 : f32 to vector<152x152xf32>
      %mul3A_563 = arith.mulf %sub3A_560, %mul3A_562 : vector<152x152xf32>
      %add3A_564 = arith.addf %mul3A_557, %mul3A_563 : vector<152x152xf32>
      %reduce_max3A_565 = arith.constant dense<0xFF800000> : vector<152xf32>
      %reduce_max3A_566 = vector.multi_reduction <maximumf>, %add3A_564, %reduce_max3A_565 [1] : vector<152x152xf32> to vector<152xf32>
      %broadcast_in_dim3A_567 = vector.shape_cast %reduce_max3A_566 : vector<152xf32> to vector<152x1xf32>
      %max3A_568 = arith.constant 0.000000e+00 : f32
      %max3A_569 = vector.broadcast %max3A_568 : f32 to vector<152x1xf32>
      %max3A_570 = arith.maximumf %broadcast_in_dim3A_567, %max3A_569 : vector<152x1xf32>
      %sub3A_571 = vector.broadcast %max3A_570 : vector<152x1xf32> to vector<152x152xf32>
      %sub3A_572 = arith.subf %add3A_564, %sub3A_571 : vector<152x152xf32>
      %exp3A_573 = math.exp %sub3A_572 : vector<152x152xf32>
      %reduce_sum3A_574 = arith.constant dense<0.000000e+00> : vector<152xf32>
      %reduce_sum3A_575 = vector.multi_reduction <add>, %exp3A_573, %reduce_sum3A_574 [1] : vector<152x152xf32> to vector<152xf32>
      %broadcast_in_dim3A_576 = vector.shape_cast %reduce_sum3A_575 : vector<152xf32> to vector<152x1xf32>
      %neg3A_577 = arith.constant 0.000000e+00 : f32
      %neg3A_578 = vector.broadcast %neg3A_577 : f32 to vector<152x1xf32>
      %neg3A_579 = arith.subf %neg3A_578, %max3A_570 : vector<152x1xf32>
      %exp3A_580 = math.exp %neg3A_579 : vector<152x1xf32>
      %sub3A_581 = arith.constant 2.048000e+03 : f32
      %sub3A_582 = vector.broadcast %sub3A_581 : f32 to vector<152x1xf32>
      %sub3A_583 = arith.subf %sub3A_582, %broadcast_in_dim3A : vector<152x1xf32>
      %mul3A_584 = arith.mulf %sub3A_583, %exp3A_580 : vector<152x1xf32>
      %add3A_585 = arith.addf %mul3A_584, %broadcast_in_dim3A_576 : vector<152x1xf32>
      %mul3A_586 = vector.broadcast %exp3A_580 : vector<152x1xf32> to vector<152x152xf32>
      %mul3A_587 = arith.mulf %get3A_215, %mul3A_586 : vector<152x152xf32>
      %sub3A_588 = arith.subf %exp3A_573, %mul3A_587 : vector<152x152xf32>
      %dot_general3A_589 = arith.constant dense<0.000000e+00> : vector<152x64xf32>
      %dot_general3A_590 = tpu.matmul %sub3A_588, %get3A_553, %dot_general3A_589 {dimension_numbers = #tpu.dot_dimension_numbers<[1], [0], [0], [1], [0, 0, 1, 1], [], []>, transpose_lhs_hint = false} : vector<152x152xf32>, vector<152x64xf32>, vector<152x64xf32> -> vector<152x64xf32>
      %slice3A_591 = vector.extract_strided_slice %get3A_212 {offsets = [0, 448], sizes = [1, 64], strides = [1, 1]} : vector<1x768xf32> to vector<1x64xf32>
      %mul3A_592 = vector.broadcast %exp3A_580 : vector<152x1xf32> to vector<152x64xf32>
      %mul3A_593 = vector.broadcast %slice3A_591 : vector<1x64xf32> to vector<152x64xf32>
      %mul3A_594 = arith.mulf %mul3A_592, %mul3A_593 : vector<152x64xf32>
      %add3A_595 = arith.addf %mul3A_594, %dot_general3A_590 : vector<152x64xf32>
      %div3A_596 = vector.broadcast %add3A_585 : vector<152x1xf32> to vector<152x64xf32>
      %div3A_597 = arith.divf %add3A_595, %div3A_596 : vector<152x64xf32>
      %slice3A_598 = vector.extract_strided_slice %get3A_206 {offsets = [0, 512], sizes = [152, 64], strides = [1, 1]} : vector<152x768xf32> to vector<152x64xf32>
      %slice3A_599 = vector.extract_strided_slice %get3A_209 {offsets = [0, 512], sizes = [152, 64], strides = [1, 1]} : vector<152x768xf32> to vector<152x64xf32>
      %get3A_600 = arith.constant 0 : index
      %get3A_601 = arith.constant 512 : index
      %get3A_602 = vector.load %arg6[%get3A_600, %get3A_601] : memref<152x768xf32, #tpu.memory_space<vmem>>, vector<152x64xf32>
      %transpose3A_603 = tpu.transpose %slice3A_599, [1, 0] : vector<152x64xf32> -> vector<64x152xf32>
      %dot_general3A_604 = arith.constant dense<0.000000e+00> : vector<152x152xf32>
      %dot_general3A_605 = tpu.matmul %slice3A_598, %transpose3A_603, %dot_general3A_604 {dimension_numbers = #tpu.dot_dimension_numbers<[1], [0], [0], [1], [0, 0, 1, 1], [], []>, transpose_lhs_hint = false} : vector<152x64xf32>, vector<64x152xf32>, vector<152x152xf32> -> vector<152x152xf32>
      %mul3A_606 = arith.mulf %dot_general3A_605, %get3A_215 : vector<152x152xf32>
      %sub3A_607 = arith.constant 1.000000e+00 : f32
      %sub3A_608 = vector.broadcast %sub3A_607 : f32 to vector<152x152xf32>
      %sub3A_609 = arith.subf %sub3A_608, %get3A_215 : vector<152x152xf32>
      %mul3A_610 = arith.constant -1.000000e+30 : f32
      %mul3A_611 = vector.broadcast %mul3A_610 : f32 to vector<152x152xf32>
      %mul3A_612 = arith.mulf %sub3A_609, %mul3A_611 : vector<152x152xf32>
      %add3A_613 = arith.addf %mul3A_606, %mul3A_612 : vector<152x152xf32>
      %reduce_max3A_614 = arith.constant dense<0xFF800000> : vector<152xf32>
      %reduce_max3A_615 = vector.multi_reduction <maximumf>, %add3A_613, %reduce_max3A_614 [1] : vector<152x152xf32> to vector<152xf32>
      %broadcast_in_dim3A_616 = vector.shape_cast %reduce_max3A_615 : vector<152xf32> to vector<152x1xf32>
      %max3A_617 = arith.constant 0.000000e+00 : f32
      %max3A_618 = vector.broadcast %max3A_617 : f32 to vector<152x1xf32>
      %max3A_619 = arith.maximumf %broadcast_in_dim3A_616, %max3A_618 : vector<152x1xf32>
      %sub3A_620 = vector.broadcast %max3A_619 : vector<152x1xf32> to vector<152x152xf32>
      %sub3A_621 = arith.subf %add3A_613, %sub3A_620 : vector<152x152xf32>
      %exp3A_622 = math.exp %sub3A_621 : vector<152x152xf32>
      %reduce_sum3A_623 = arith.constant dense<0.000000e+00> : vector<152xf32>
      %reduce_sum3A_624 = vector.multi_reduction <add>, %exp3A_622, %reduce_sum3A_623 [1] : vector<152x152xf32> to vector<152xf32>
      %broadcast_in_dim3A_625 = vector.shape_cast %reduce_sum3A_624 : vector<152xf32> to vector<152x1xf32>
      %neg3A_626 = arith.constant 0.000000e+00 : f32
      %neg3A_627 = vector.broadcast %neg3A_626 : f32 to vector<152x1xf32>
      %neg3A_628 = arith.subf %neg3A_627, %max3A_619 : vector<152x1xf32>
      %exp3A_629 = math.exp %neg3A_628 : vector<152x1xf32>
      %sub3A_630 = arith.constant 2.048000e+03 : f32
      %sub3A_631 = vector.broadcast %sub3A_630 : f32 to vector<152x1xf32>
      %sub3A_632 = arith.subf %sub3A_631, %broadcast_in_dim3A : vector<152x1xf32>
      %mul3A_633 = arith.mulf %sub3A_632, %exp3A_629 : vector<152x1xf32>
      %add3A_634 = arith.addf %mul3A_633, %broadcast_in_dim3A_625 : vector<152x1xf32>
      %mul3A_635 = vector.broadcast %exp3A_629 : vector<152x1xf32> to vector<152x152xf32>
      %mul3A_636 = arith.mulf %get3A_215, %mul3A_635 : vector<152x152xf32>
      %sub3A_637 = arith.subf %exp3A_622, %mul3A_636 : vector<152x152xf32>
      %dot_general3A_638 = arith.constant dense<0.000000e+00> : vector<152x64xf32>
      %dot_general3A_639 = tpu.matmul %sub3A_637, %get3A_602, %dot_general3A_638 {dimension_numbers = #tpu.dot_dimension_numbers<[1], [0], [0], [1], [0, 0, 1, 1], [], []>, transpose_lhs_hint = false} : vector<152x152xf32>, vector<152x64xf32>, vector<152x64xf32> -> vector<152x64xf32>
      %slice3A_640 = vector.extract_strided_slice %get3A_212 {offsets = [0, 512], sizes = [1, 64], strides = [1, 1]} : vector<1x768xf32> to vector<1x64xf32>
      %mul3A_641 = vector.broadcast %exp3A_629 : vector<152x1xf32> to vector<152x64xf32>
      %mul3A_642 = vector.broadcast %slice3A_640 : vector<1x64xf32> to vector<152x64xf32>
      %mul3A_643 = arith.mulf %mul3A_641, %mul3A_642 : vector<152x64xf32>
      %add3A_644 = arith.addf %mul3A_643, %dot_general3A_639 : vector<152x64xf32>
      %div3A_645 = vector.broadcast %add3A_634 : vector<152x1xf32> to vector<152x64xf32>
      %div3A_646 = arith.divf %add3A_644, %div3A_645 : vector<152x64xf32>
      %slice3A_647 = vector.extract_strided_slice %get3A_206 {offsets = [0, 576], sizes = [152, 64], strides = [1, 1]} : vector<152x768xf32> to vector<152x64xf32>
      %slice3A_648 = vector.extract_strided_slice %get3A_209 {offsets = [0, 576], sizes = [152, 64], strides = [1, 1]} : vector<152x768xf32> to vector<152x64xf32>
      %get3A_649 = arith.constant 0 : index
      %get3A_650 = arith.constant 576 : index
      %get3A_651 = vector.load %arg6[%get3A_649, %get3A_650] : memref<152x768xf32, #tpu.memory_space<vmem>>, vector<152x64xf32>
      %transpose3A_652 = tpu.transpose %slice3A_648, [1, 0] : vector<152x64xf32> -> vector<64x152xf32>
      %dot_general3A_653 = arith.constant dense<0.000000e+00> : vector<152x152xf32>
      %dot_general3A_654 = tpu.matmul %slice3A_647, %transpose3A_652, %dot_general3A_653 {dimension_numbers = #tpu.dot_dimension_numbers<[1], [0], [0], [1], [0, 0, 1, 1], [], []>, transpose_lhs_hint = false} : vector<152x64xf32>, vector<64x152xf32>, vector<152x152xf32> -> vector<152x152xf32>
      %mul3A_655 = arith.mulf %dot_general3A_654, %get3A_215 : vector<152x152xf32>
      %sub3A_656 = arith.constant 1.000000e+00 : f32
      %sub3A_657 = vector.broadcast %sub3A_656 : f32 to vector<152x152xf32>
      %sub3A_658 = arith.subf %sub3A_657, %get3A_215 : vector<152x152xf32>
      %mul3A_659 = arith.constant -1.000000e+30 : f32
      %mul3A_660 = vector.broadcast %mul3A_659 : f32 to vector<152x152xf32>
      %mul3A_661 = arith.mulf %sub3A_658, %mul3A_660 : vector<152x152xf32>
      %add3A_662 = arith.addf %mul3A_655, %mul3A_661 : vector<152x152xf32>
      %reduce_max3A_663 = arith.constant dense<0xFF800000> : vector<152xf32>
      %reduce_max3A_664 = vector.multi_reduction <maximumf>, %add3A_662, %reduce_max3A_663 [1] : vector<152x152xf32> to vector<152xf32>
      %broadcast_in_dim3A_665 = vector.shape_cast %reduce_max3A_664 : vector<152xf32> to vector<152x1xf32>
      %max3A_666 = arith.constant 0.000000e+00 : f32
      %max3A_667 = vector.broadcast %max3A_666 : f32 to vector<152x1xf32>
      %max3A_668 = arith.maximumf %broadcast_in_dim3A_665, %max3A_667 : vector<152x1xf32>
      %sub3A_669 = vector.broadcast %max3A_668 : vector<152x1xf32> to vector<152x152xf32>
      %sub3A_670 = arith.subf %add3A_662, %sub3A_669 : vector<152x152xf32>
      %exp3A_671 = math.exp %sub3A_670 : vector<152x152xf32>
      %reduce_sum3A_672 = arith.constant dense<0.000000e+00> : vector<152xf32>
      %reduce_sum3A_673 = vector.multi_reduction <add>, %exp3A_671, %reduce_sum3A_672 [1] : vector<152x152xf32> to vector<152xf32>
      %broadcast_in_dim3A_674 = vector.shape_cast %reduce_sum3A_673 : vector<152xf32> to vector<152x1xf32>
      %neg3A_675 = arith.constant 0.000000e+00 : f32
      %neg3A_676 = vector.broadcast %neg3A_675 : f32 to vector<152x1xf32>
      %neg3A_677 = arith.subf %neg3A_676, %max3A_668 : vector<152x1xf32>
      %exp3A_678 = math.exp %neg3A_677 : vector<152x1xf32>
      %sub3A_679 = arith.constant 2.048000e+03 : f32
      %sub3A_680 = vector.broadcast %sub3A_679 : f32 to vector<152x1xf32>
      %sub3A_681 = arith.subf %sub3A_680, %broadcast_in_dim3A : vector<152x1xf32>
      %mul3A_682 = arith.mulf %sub3A_681, %exp3A_678 : vector<152x1xf32>
      %add3A_683 = arith.addf %mul3A_682, %broadcast_in_dim3A_674 : vector<152x1xf32>
      %mul3A_684 = vector.broadcast %exp3A_678 : vector<152x1xf32> to vector<152x152xf32>
      %mul3A_685 = arith.mulf %get3A_215, %mul3A_684 : vector<152x152xf32>
      %sub3A_686 = arith.subf %exp3A_671, %mul3A_685 : vector<152x152xf32>
      %dot_general3A_687 = arith.constant dense<0.000000e+00> : vector<152x64xf32>
      %dot_general3A_688 = tpu.matmul %sub3A_686, %get3A_651, %dot_general3A_687 {dimension_numbers = #tpu.dot_dimension_numbers<[1], [0], [0], [1], [0, 0, 1, 1], [], []>, transpose_lhs_hint = false} : vector<152x152xf32>, vector<152x64xf32>, vector<152x64xf32> -> vector<152x64xf32>
      %slice3A_689 = vector.extract_strided_slice %get3A_212 {offsets = [0, 576], sizes = [1, 64], strides = [1, 1]} : vector<1x768xf32> to vector<1x64xf32>
      %mul3A_690 = vector.broadcast %exp3A_678 : vector<152x1xf32> to vector<152x64xf32>
      %mul3A_691 = vector.broadcast %slice3A_689 : vector<1x64xf32> to vector<152x64xf32>
      %mul3A_692 = arith.mulf %mul3A_690, %mul3A_691 : vector<152x64xf32>
      %add3A_693 = arith.addf %mul3A_692, %dot_general3A_688 : vector<152x64xf32>
      %div3A_694 = vector.broadcast %add3A_683 : vector<152x1xf32> to vector<152x64xf32>
      %div3A_695 = arith.divf %add3A_693, %div3A_694 : vector<152x64xf32>
      %slice3A_696 = vector.extract_strided_slice %get3A_206 {offsets = [0, 640], sizes = [152, 64], strides = [1, 1]} : vector<152x768xf32> to vector<152x64xf32>
      %slice3A_697 = vector.extract_strided_slice %get3A_209 {offsets = [0, 640], sizes = [152, 64], strides = [1, 1]} : vector<152x768xf32> to vector<152x64xf32>
      %get3A_698 = arith.constant 0 : index
      %get3A_699 = arith.constant 640 : index
      %get3A_700 = vector.load %arg6[%get3A_698, %get3A_699] : memref<152x768xf32, #tpu.memory_space<vmem>>, vector<152x64xf32>
      %transpose3A_701 = tpu.transpose %slice3A_697, [1, 0] : vector<152x64xf32> -> vector<64x152xf32>
      %dot_general3A_702 = arith.constant dense<0.000000e+00> : vector<152x152xf32>
      %dot_general3A_703 = tpu.matmul %slice3A_696, %transpose3A_701, %dot_general3A_702 {dimension_numbers = #tpu.dot_dimension_numbers<[1], [0], [0], [1], [0, 0, 1, 1], [], []>, transpose_lhs_hint = false} : vector<152x64xf32>, vector<64x152xf32>, vector<152x152xf32> -> vector<152x152xf32>
      %mul3A_704 = arith.mulf %dot_general3A_703, %get3A_215 : vector<152x152xf32>
      %sub3A_705 = arith.constant 1.000000e+00 : f32
      %sub3A_706 = vector.broadcast %sub3A_705 : f32 to vector<152x152xf32>
      %sub3A_707 = arith.subf %sub3A_706, %get3A_215 : vector<152x152xf32>
      %mul3A_708 = arith.constant -1.000000e+30 : f32
      %mul3A_709 = vector.broadcast %mul3A_708 : f32 to vector<152x152xf32>
      %mul3A_710 = arith.mulf %sub3A_707, %mul3A_709 : vector<152x152xf32>
      %add3A_711 = arith.addf %mul3A_704, %mul3A_710 : vector<152x152xf32>
      %reduce_max3A_712 = arith.constant dense<0xFF800000> : vector<152xf32>
      %reduce_max3A_713 = vector.multi_reduction <maximumf>, %add3A_711, %reduce_max3A_712 [1] : vector<152x152xf32> to vector<152xf32>
      %broadcast_in_dim3A_714 = vector.shape_cast %reduce_max3A_713 : vector<152xf32> to vector<152x1xf32>
      %max3A_715 = arith.constant 0.000000e+00 : f32
      %max3A_716 = vector.broadcast %max3A_715 : f32 to vector<152x1xf32>
      %max3A_717 = arith.maximumf %broadcast_in_dim3A_714, %max3A_716 : vector<152x1xf32>
      %sub3A_718 = vector.broadcast %max3A_717 : vector<152x1xf32> to vector<152x152xf32>
      %sub3A_719 = arith.subf %add3A_711, %sub3A_718 : vector<152x152xf32>
      %exp3A_720 = math.exp %sub3A_719 : vector<152x152xf32>
      %reduce_sum3A_721 = arith.constant dense<0.000000e+00> : vector<152xf32>
      %reduce_sum3A_722 = vector.multi_reduction <add>, %exp3A_720, %reduce_sum3A_721 [1] : vector<152x152xf32> to vector<152xf32>
      %broadcast_in_dim3A_723 = vector.shape_cast %reduce_sum3A_722 : vector<152xf32> to vector<152x1xf32>
      %neg3A_724 = arith.constant 0.000000e+00 : f32
      %neg3A_725 = vector.broadcast %neg3A_724 : f32 to vector<152x1xf32>
      %neg3A_726 = arith.subf %neg3A_725, %max3A_717 : vector<152x1xf32>
      %exp3A_727 = math.exp %neg3A_726 : vector<152x1xf32>
      %sub3A_728 = arith.constant 2.048000e+03 : f32
      %sub3A_729 = vector.broadcast %sub3A_728 : f32 to vector<152x1xf32>
      %sub3A_730 = arith.subf %sub3A_729, %broadcast_in_dim3A : vector<152x1xf32>
      %mul3A_731 = arith.mulf %sub3A_730, %exp3A_727 : vector<152x1xf32>
      %add3A_732 = arith.addf %mul3A_731, %broadcast_in_dim3A_723 : vector<152x1xf32>
      %mul3A_733 = vector.broadcast %exp3A_727 : vector<152x1xf32> to vector<152x152xf32>
      %mul3A_734 = arith.mulf %get3A_215, %mul3A_733 : vector<152x152xf32>
      %sub3A_735 = arith.subf %exp3A_720, %mul3A_734 : vector<152x152xf32>
      %dot_general3A_736 = arith.constant dense<0.000000e+00> : vector<152x64xf32>
      %dot_general3A_737 = tpu.matmul %sub3A_735, %get3A_700, %dot_general3A_736 {dimension_numbers = #tpu.dot_dimension_numbers<[1], [0], [0], [1], [0, 0, 1, 1], [], []>, transpose_lhs_hint = false} : vector<152x152xf32>, vector<152x64xf32>, vector<152x64xf32> -> vector<152x64xf32>
      %slice3A_738 = vector.extract_strided_slice %get3A_212 {offsets = [0, 640], sizes = [1, 64], strides = [1, 1]} : vector<1x768xf32> to vector<1x64xf32>
      %mul3A_739 = vector.broadcast %exp3A_727 : vector<152x1xf32> to vector<152x64xf32>
      %mul3A_740 = vector.broadcast %slice3A_738 : vector<1x64xf32> to vector<152x64xf32>
      %mul3A_741 = arith.mulf %mul3A_739, %mul3A_740 : vector<152x64xf32>
      %add3A_742 = arith.addf %mul3A_741, %dot_general3A_737 : vector<152x64xf32>
      %div3A_743 = vector.broadcast %add3A_732 : vector<152x1xf32> to vector<152x64xf32>
      %div3A_744 = arith.divf %add3A_742, %div3A_743 : vector<152x64xf32>
      %slice3A_745 = vector.extract_strided_slice %get3A_206 {offsets = [0, 704], sizes = [152, 64], strides = [1, 1]} : vector<152x768xf32> to vector<152x64xf32>
      %slice3A_746 = vector.extract_strided_slice %get3A_209 {offsets = [0, 704], sizes = [152, 64], strides = [1, 1]} : vector<152x768xf32> to vector<152x64xf32>
      %get3A_747 = arith.constant 0 : index
      %get3A_748 = arith.constant 704 : index
      %get3A_749 = vector.load %arg6[%get3A_747, %get3A_748] : memref<152x768xf32, #tpu.memory_space<vmem>>, vector<152x64xf32>
      %transpose3A_750 = tpu.transpose %slice3A_746, [1, 0] : vector<152x64xf32> -> vector<64x152xf32>
      %dot_general3A_751 = arith.constant dense<0.000000e+00> : vector<152x152xf32>
      %dot_general3A_752 = tpu.matmul %slice3A_745, %transpose3A_750, %dot_general3A_751 {dimension_numbers = #tpu.dot_dimension_numbers<[1], [0], [0], [1], [0, 0, 1, 1], [], []>, transpose_lhs_hint = false} : vector<152x64xf32>, vector<64x152xf32>, vector<152x152xf32> -> vector<152x152xf32>
      %mul3A_753 = arith.mulf %dot_general3A_752, %get3A_215 : vector<152x152xf32>
      %sub3A_754 = arith.constant 1.000000e+00 : f32
      %sub3A_755 = vector.broadcast %sub3A_754 : f32 to vector<152x152xf32>
      %sub3A_756 = arith.subf %sub3A_755, %get3A_215 : vector<152x152xf32>
      %mul3A_757 = arith.constant -1.000000e+30 : f32
      %mul3A_758 = vector.broadcast %mul3A_757 : f32 to vector<152x152xf32>
      %mul3A_759 = arith.mulf %sub3A_756, %mul3A_758 : vector<152x152xf32>
      %add3A_760 = arith.addf %mul3A_753, %mul3A_759 : vector<152x152xf32>
      %reduce_max3A_761 = arith.constant dense<0xFF800000> : vector<152xf32>
      %reduce_max3A_762 = vector.multi_reduction <maximumf>, %add3A_760, %reduce_max3A_761 [1] : vector<152x152xf32> to vector<152xf32>
      %broadcast_in_dim3A_763 = vector.shape_cast %reduce_max3A_762 : vector<152xf32> to vector<152x1xf32>
      %max3A_764 = arith.constant 0.000000e+00 : f32
      %max3A_765 = vector.broadcast %max3A_764 : f32 to vector<152x1xf32>
      %max3A_766 = arith.maximumf %broadcast_in_dim3A_763, %max3A_765 : vector<152x1xf32>
      %sub3A_767 = vector.broadcast %max3A_766 : vector<152x1xf32> to vector<152x152xf32>
      %sub3A_768 = arith.subf %add3A_760, %sub3A_767 : vector<152x152xf32>
      %exp3A_769 = math.exp %sub3A_768 : vector<152x152xf32>
      %reduce_sum3A_770 = arith.constant dense<0.000000e+00> : vector<152xf32>
      %reduce_sum3A_771 = vector.multi_reduction <add>, %exp3A_769, %reduce_sum3A_770 [1] : vector<152x152xf32> to vector<152xf32>
      %broadcast_in_dim3A_772 = vector.shape_cast %reduce_sum3A_771 : vector<152xf32> to vector<152x1xf32>
      %neg3A_773 = arith.constant 0.000000e+00 : f32
      %neg3A_774 = vector.broadcast %neg3A_773 : f32 to vector<152x1xf32>
      %neg3A_775 = arith.subf %neg3A_774, %max3A_766 : vector<152x1xf32>
      %exp3A_776 = math.exp %neg3A_775 : vector<152x1xf32>
      %sub3A_777 = arith.constant 2.048000e+03 : f32
      %sub3A_778 = vector.broadcast %sub3A_777 : f32 to vector<152x1xf32>
      %sub3A_779 = arith.subf %sub3A_778, %broadcast_in_dim3A : vector<152x1xf32>
      %mul3A_780 = arith.mulf %sub3A_779, %exp3A_776 : vector<152x1xf32>
      %add3A_781 = arith.addf %mul3A_780, %broadcast_in_dim3A_772 : vector<152x1xf32>
      %mul3A_782 = vector.broadcast %exp3A_776 : vector<152x1xf32> to vector<152x152xf32>
      %mul3A_783 = arith.mulf %get3A_215, %mul3A_782 : vector<152x152xf32>
      %sub3A_784 = arith.subf %exp3A_769, %mul3A_783 : vector<152x152xf32>
      %dot_general3A_785 = arith.constant dense<0.000000e+00> : vector<152x64xf32>
      %dot_general3A_786 = tpu.matmul %sub3A_784, %get3A_749, %dot_general3A_785 {dimension_numbers = #tpu.dot_dimension_numbers<[1], [0], [0], [1], [0, 0, 1, 1], [], []>, transpose_lhs_hint = false} : vector<152x152xf32>, vector<152x64xf32>, vector<152x64xf32> -> vector<152x64xf32>
      %slice3A_787 = vector.extract_strided_slice %get3A_212 {offsets = [0, 704], sizes = [1, 64], strides = [1, 1]} : vector<1x768xf32> to vector<1x64xf32>
      %mul3A_788 = vector.broadcast %exp3A_776 : vector<152x1xf32> to vector<152x64xf32>
      %mul3A_789 = vector.broadcast %slice3A_787 : vector<1x64xf32> to vector<152x64xf32>
      %mul3A_790 = arith.mulf %mul3A_788, %mul3A_789 : vector<152x64xf32>
      %add3A_791 = arith.addf %mul3A_790, %dot_general3A_786 : vector<152x64xf32>
      %div3A_792 = vector.broadcast %add3A_781 : vector<152x1xf32> to vector<152x64xf32>
      %div3A_793 = arith.divf %add3A_791, %div3A_792 : vector<152x64xf32>
      %concatenate3A = tpu.concatenate %div3A_254, %div3A_303, %div3A_352, %div3A_401, %div3A_450, %div3A_499, %div3A_548, %div3A_597, %div3A_646, %div3A_695, %div3A_744, %div3A_793 in 1 : vector<152x64xf32>, vector<152x64xf32>, vector<152x64xf32>, vector<152x64xf32>, vector<152x64xf32>, vector<152x64xf32>, vector<152x64xf32>, vector<152x64xf32>, vector<152x64xf32>, vector<152x64xf32>, vector<152x64xf32>, vector<152x64xf32> -> vector<152x768xf32>
      %swap3A = arith.constant 0 : index
      %swap3A_794 = arith.constant 0 : index
      %swap3A_795 = vector.load %arg7[%swap3A, %swap3A_794] : memref<152x768xf32, #tpu.memory_space<vmem>>, vector<152x768xf32>
      tpu.vector_store %arg7[%swap3A, %swap3A_794], %concatenate3A {strides = array<i32>} : memref<152x768xf32, #tpu.memory_space<vmem>>, vector<152x768xf32>,
    } else {
    }
    %ge3A = arith.constant 1 : i32
    %ge3A_106 = arith.cmpi sge, %arg0, %ge3A : i32
    %convert_element_type3A_107 = arith.extui %ge3A_106 : i1 to i32
    %cond3A_108 = arith.constant 0 : i32
    %cond3A_109 = arith.cmpi ne, %convert_element_type3A_107, %cond3A_108 : i32
    scf.if %cond3A_109 {
      %get3A = arith.constant 0 : index
      %get3A_205 = arith.constant 0 : index
      %get3A_206 = vector.load %arg5[%get3A, %get3A_205] : memref<1x768xf32, #tpu.memory_space<vmem>>, vector<1x768xf32>
      %mul3A = arith.constant 4.8828125E-4 : f32
      %mul3A_207 = vector.broadcast %mul3A : f32 to vector<1x768xf32>
      %mul3A_208 = arith.mulf %get3A_206, %mul3A_207 : vector<1x768xf32>
      %broadcast_in_dim3A = vector.shape_cast %mul3A_208 : vector<1x768xf32> to vector<1x768xf32>
      %broadcast_in_dim3A_209 = vector.broadcast %broadcast_in_dim3A : vector<1x768xf32> to vector<1024x768xf32>
      %swap3A = arith.constant 0 : index
      %swap3A_210 = arith.constant 0 : index
      %swap3A_211 = vector.load %arg4[%swap3A, %swap3A_210] : memref<1024x768xf32, #tpu.memory_space<vmem>>, vector<1024x768xf32>
      tpu.vector_store %arg4[%swap3A, %swap3A_210], %broadcast_in_dim3A_209 {strides = array<i32>} : memref<1024x768xf32, #tpu.memory_space<vmem>>, vector<1024x768xf32>,
    } else {
    }
    %eq3A_110 = arith.constant 1 : i32
    %eq3A_111 = arith.cmpi eq, %arg0, %eq3A_110 : i32
    %convert_element_type3A_112 = arith.extui %eq3A_111 : i1 to i32
    %cond3A_113 = arith.constant 0 : i32
    %cond3A_114 = arith.cmpi ne, %convert_element_type3A_112, %cond3A_113 : i32
    scf.if %cond3A_114 {
      %get3A = arith.constant 0 : index
      %get3A_205 = arith.constant 0 : index
      %get3A_206 = vector.load %arg7[%get3A, %get3A_205] : memref<152x768xf32, #tpu.memory_space<vmem>>, vector<8x768xf32>
      %swap3A = arith.constant 82 : index
      %swap3A_207 = arith.constant 0 : index
      %swap3A_208 = vector.load %arg4[%swap3A, %swap3A_207] : memref<1024x768xf32, #tpu.memory_space<vmem>>, vector<8x768xf32>
      tpu.vector_store %arg4[%swap3A, %swap3A_207], %get3A_206 {strides = array<i32>} : memref<1024x768xf32, #tpu.memory_space<vmem>>, vector<8x768xf32>,
    } else {
    }
    %eq3A_115 = arith.constant 1 : i32
    %eq3A_116 = arith.cmpi eq, %arg0, %eq3A_115 : i32
    %convert_element_type3A_117 = arith.extui %eq3A_116 : i1 to i32
    %cond3A_118 = arith.constant 0 : i32
    %cond3A_119 = arith.cmpi ne, %convert_element_type3A_117, %cond3A_118 : i32
    scf.if %cond3A_119 {
      %get3A = arith.constant 8 : index
      %get3A_205 = arith.constant 0 : index
      %get3A_206 = vector.load %arg7[%get3A, %get3A_205] : memref<152x768xf32, #tpu.memory_space<vmem>>, vector<8x768xf32>
      %swap3A = arith.constant 530 : index
      %swap3A_207 = arith.constant 0 : index
      %swap3A_208 = vector.load %arg4[%swap3A, %swap3A_207] : memref<1024x768xf32, #tpu.memory_space<vmem>>, vector<8x768xf32>
      tpu.vector_store %arg4[%swap3A, %swap3A_207], %get3A_206 {strides = array<i32>} : memref<1024x768xf32, #tpu.memory_space<vmem>>, vector<8x768xf32>,
    } else {
    }
    %eq3A_120 = arith.constant 1 : i32
    %eq3A_121 = arith.cmpi eq, %arg0, %eq3A_120 : i32
    %convert_element_type3A_122 = arith.extui %eq3A_121 : i1 to i32
    %cond3A_123 = arith.constant 0 : i32
    %cond3A_124 = arith.cmpi ne, %convert_element_type3A_122, %cond3A_123 : i32
    scf.if %cond3A_124 {
      %get3A = arith.constant 16 : index
      %get3A_205 = arith.constant 0 : index
      %get3A_206 = vector.load %arg7[%get3A, %get3A_205] : memref<152x768xf32, #tpu.memory_space<vmem>>, vector<8x768xf32>
      %swap3A = arith.constant 621 : index
      %swap3A_207 = arith.constant 0 : index
      %swap3A_208 = vector.load %arg4[%swap3A, %swap3A_207] : memref<1024x768xf32, #tpu.memory_space<vmem>>, vector<8x768xf32>
      tpu.vector_store %arg4[%swap3A, %swap3A_207], %get3A_206 {strides = array<i32>} : memref<1024x768xf32, #tpu.memory_space<vmem>>, vector<8x768xf32>,
    } else {
    }
    %eq3A_125 = arith.constant 1 : i32
    %eq3A_126 = arith.cmpi eq, %arg0, %eq3A_125 : i32
    %convert_element_type3A_127 = arith.extui %eq3A_126 : i1 to i32
    %cond3A_128 = arith.constant 0 : i32
    %cond3A_129 = arith.cmpi ne, %convert_element_type3A_127, %cond3A_128 : i32
    scf.if %cond3A_129 {
      %get3A = arith.constant 24 : index
      %get3A_205 = arith.constant 0 : index
      %get3A_206 = vector.load %arg7[%get3A, %get3A_205] : memref<152x768xf32, #tpu.memory_space<vmem>>, vector<8x768xf32>
      %swap3A = arith.constant 733 : index
      %swap3A_207 = arith.constant 0 : index
      %swap3A_208 = vector.load %arg4[%swap3A, %swap3A_207] : memref<1024x768xf32, #tpu.memory_space<vmem>>, vector<8x768xf32>
      tpu.vector_store %arg4[%swap3A, %swap3A_207], %get3A_206 {strides = array<i32>} : memref<1024x768xf32, #tpu.memory_space<vmem>>, vector<8x768xf32>,
    } else {
    }
    %eq3A_130 = arith.constant 1 : i32
    %eq3A_131 = arith.cmpi eq, %arg0, %eq3A_130 : i32
    %convert_element_type3A_132 = arith.extui %eq3A_131 : i1 to i32
    %cond3A_133 = arith.constant 0 : i32
    %cond3A_134 = arith.cmpi ne, %convert_element_type3A_132, %cond3A_133 : i32
    scf.if %cond3A_134 {
      %get3A = arith.constant 32 : index
      %get3A_205 = arith.constant 0 : index
      %get3A_206 = vector.load %arg7[%get3A, %get3A_205] : memref<152x768xf32, #tpu.memory_space<vmem>>, vector<8x768xf32>
      %swap3A = arith.constant 788 : index
      %swap3A_207 = arith.constant 0 : index
      %swap3A_208 = vector.load %arg4[%swap3A, %swap3A_207] : memref<1024x768xf32, #tpu.memory_space<vmem>>, vector<8x768xf32>
      tpu.vector_store %arg4[%swap3A, %swap3A_207], %get3A_206 {strides = array<i32>} : memref<1024x768xf32, #tpu.memory_space<vmem>>, vector<8x768xf32>,
    } else {
    }
    %eq3A_135 = arith.constant 1 : i32
    %eq3A_136 = arith.cmpi eq, %arg0, %eq3A_135 : i32
    %convert_element_type3A_137 = arith.extui %eq3A_136 : i1 to i32
    %cond3A_138 = arith.constant 0 : i32
    %cond3A_139 = arith.cmpi ne, %convert_element_type3A_137, %cond3A_138 : i32
    scf.if %cond3A_139 {
      %get3A = arith.constant 40 : index
      %get3A_205 = arith.constant 0 : index
      %get3A_206 = vector.load %arg7[%get3A, %get3A_205] : memref<152x768xf32, #tpu.memory_space<vmem>>, vector<8x768xf32>
      %swap3A = arith.constant 829 : index
      %swap3A_207 = arith.constant 0 : index
      %swap3A_208 = vector.load %arg4[%swap3A, %swap3A_207] : memref<1024x768xf32, #tpu.memory_space<vmem>>, vector<8x768xf32>
      tpu.vector_store %arg4[%swap3A, %swap3A_207], %get3A_206 {strides = array<i32>} : memref<1024x768xf32, #tpu.memory_space<vmem>>, vector<8x768xf32>,
    } else {
    }
    %eq3A_140 = arith.constant 1 : i32
    %eq3A_141 = arith.cmpi eq, %arg0, %eq3A_140 : i32
    %convert_element_type3A_142 = arith.extui %eq3A_141 : i1 to i32
    %cond3A_143 = arith.constant 0 : i32
    %cond3A_144 = arith.cmpi ne, %convert_element_type3A_142, %cond3A_143 : i32
    scf.if %cond3A_144 {
      %get3A = arith.constant 48 : index
      %get3A_205 = arith.constant 0 : index
      %get3A_206 = vector.load %arg7[%get3A, %get3A_205] : memref<152x768xf32, #tpu.memory_space<vmem>>, vector<8x768xf32>
      %swap3A = arith.constant 861 : index
      %swap3A_207 = arith.constant 0 : index
      %swap3A_208 = vector.load %arg4[%swap3A, %swap3A_207] : memref<1024x768xf32, #tpu.memory_space<vmem>>, vector<8x768xf32>
      tpu.vector_store %arg4[%swap3A, %swap3A_207], %get3A_206 {strides = array<i32>} : memref<1024x768xf32, #tpu.memory_space<vmem>>, vector<8x768xf32>,
    } else {
    }
    %eq3A_145 = arith.constant 1 : i32
    %eq3A_146 = arith.cmpi eq, %arg0, %eq3A_145 : i32
    %convert_element_type3A_147 = arith.extui %eq3A_146 : i1 to i32
    %cond3A_148 = arith.constant 0 : i32
    %cond3A_149 = arith.cmpi ne, %convert_element_type3A_147, %cond3A_148 : i32
    scf.if %cond3A_149 {
      %get3A = arith.constant 56 : index
      %get3A_205 = arith.constant 0 : index
      %get3A_206 = vector.load %arg7[%get3A, %get3A_205] : memref<152x768xf32, #tpu.memory_space<vmem>>, vector<8x768xf32>
      %swap3A = arith.constant 976 : index
      %swap3A_207 = arith.constant 0 : index
      %swap3A_208 = vector.load %arg4[%swap3A, %swap3A_207] : memref<1024x768xf32, #tpu.memory_space<vmem>>, vector<8x768xf32>
      tpu.vector_store %arg4[%swap3A, %swap3A_207], %get3A_206 {strides = array<i32>} : memref<1024x768xf32, #tpu.memory_space<vmem>>, vector<8x768xf32>,
    } else {
    }
    %eq3A_150 = arith.constant 1 : i32
    %eq3A_151 = arith.cmpi eq, %arg0, %eq3A_150 : i32
    %convert_element_type3A_152 = arith.extui %eq3A_151 : i1 to i32
    %cond3A_153 = arith.constant 0 : i32
    %cond3A_154 = arith.cmpi ne, %convert_element_type3A_152, %cond3A_153 : i32
    scf.if %cond3A_154 {
      %get3A = arith.constant 64 : index
      %get3A_205 = arith.constant 0 : index
      %get3A_206 = vector.load %arg7[%get3A, %get3A_205] : memref<152x768xf32, #tpu.memory_space<vmem>>, vector<8x768xf32>
      %swap3A = arith.constant 995 : index
      %swap3A_207 = arith.constant 0 : index
      %swap3A_208 = vector.load %arg4[%swap3A, %swap3A_207] : memref<1024x768xf32, #tpu.memory_space<vmem>>, vector<8x768xf32>
      tpu.vector_store %arg4[%swap3A, %swap3A_207], %get3A_206 {strides = array<i32>} : memref<1024x768xf32, #tpu.memory_space<vmem>>, vector<8x768xf32>,
    } else {
    }
    %eq3A_155 = arith.constant 2 : i32
    %eq3A_156 = arith.cmpi eq, %arg0, %eq3A_155 : i32
    %convert_element_type3A_157 = arith.extui %eq3A_156 : i1 to i32
    %cond3A_158 = arith.constant 0 : i32
    %cond3A_159 = arith.cmpi ne, %convert_element_type3A_157, %cond3A_158 : i32
    scf.if %cond3A_159 {
      %get3A = arith.constant 72 : index
      %get3A_205 = arith.constant 0 : index
      %get3A_206 = vector.load %arg7[%get3A, %get3A_205] : memref<152x768xf32, #tpu.memory_space<vmem>>, vector<8x768xf32>
      %swap3A = arith.constant 23 : index
      %swap3A_207 = arith.constant 0 : index
      %swap3A_208 = vector.load %arg4[%swap3A, %swap3A_207] : memref<1024x768xf32, #tpu.memory_space<vmem>>, vector<8x768xf32>
      tpu.vector_store %arg4[%swap3A, %swap3A_207], %get3A_206 {strides = array<i32>} : memref<1024x768xf32, #tpu.memory_space<vmem>>, vector<8x768xf32>,
    } else {
    }
    %eq3A_160 = arith.constant 2 : i32
    %eq3A_161 = arith.cmpi eq, %arg0, %eq3A_160 : i32
    %convert_element_type3A_162 = arith.extui %eq3A_161 : i1 to i32
    %cond3A_163 = arith.constant 0 : i32
    %cond3A_164 = arith.cmpi ne, %convert_element_type3A_162, %cond3A_163 : i32
    scf.if %cond3A_164 {
      %get3A = arith.constant 80 : index
      %get3A_205 = arith.constant 0 : index
      %get3A_206 = vector.load %arg7[%get3A, %get3A_205] : memref<152x768xf32, #tpu.memory_space<vmem>>, vector<8x768xf32>
      %swap3A = arith.constant 170 : index
      %swap3A_207 = arith.constant 0 : index
      %swap3A_208 = vector.load %arg4[%swap3A, %swap3A_207] : memref<1024x768xf32, #tpu.memory_space<vmem>>, vector<8x768xf32>
      tpu.vector_store %arg4[%swap3A, %swap3A_207], %get3A_206 {strides = array<i32>} : memref<1024x768xf32, #tpu.memory_space<vmem>>, vector<8x768xf32>,
    } else {
    }
    %eq3A_165 = arith.constant 2 : i32
    %eq3A_166 = arith.cmpi eq, %arg0, %eq3A_165 : i32
    %convert_element_type3A_167 = arith.extui %eq3A_166 : i1 to i32
    %cond3A_168 = arith.constant 0 : i32
    %cond3A_169 = arith.cmpi ne, %convert_element_type3A_167, %cond3A_168 : i32
    scf.if %cond3A_169 {
      %get3A = arith.constant 88 : index
      %get3A_205 = arith.constant 0 : index
      %get3A_206 = vector.load %arg7[%get3A, %get3A_205] : memref<152x768xf32, #tpu.memory_space<vmem>>, vector<8x768xf32>
      %swap3A = arith.constant 528 : index
      %swap3A_207 = arith.constant 0 : index
      %swap3A_208 = vector.load %arg4[%swap3A, %swap3A_207] : memref<1024x768xf32, #tpu.memory_space<vmem>>, vector<8x768xf32>
      tpu.vector_store %arg4[%swap3A, %swap3A_207], %get3A_206 {strides = array<i32>} : memref<1024x768xf32, #tpu.memory_space<vmem>>, vector<8x768xf32>,
    } else {
    }
    %eq3A_170 = arith.constant 2 : i32
    %eq3A_171 = arith.cmpi eq, %arg0, %eq3A_170 : i32
    %convert_element_type3A_172 = arith.extui %eq3A_171 : i1 to i32
    %cond3A_173 = arith.constant 0 : i32
    %cond3A_174 = arith.cmpi ne, %convert_element_type3A_172, %cond3A_173 : i32
    scf.if %cond3A_174 {
      %get3A = arith.constant 96 : index
      %get3A_205 = arith.constant 0 : index
      %get3A_206 = vector.load %arg7[%get3A, %get3A_205] : memref<152x768xf32, #tpu.memory_space<vmem>>, vector<8x768xf32>
      %swap3A = arith.constant 581 : index
      %swap3A_207 = arith.constant 0 : index
      %swap3A_208 = vector.load %arg4[%swap3A, %swap3A_207] : memref<1024x768xf32, #tpu.memory_space<vmem>>, vector<8x768xf32>
      tpu.vector_store %arg4[%swap3A, %swap3A_207], %get3A_206 {strides = array<i32>} : memref<1024x768xf32, #tpu.memory_space<vmem>>, vector<8x768xf32>,
    } else {
    }
    %eq3A_175 = arith.constant 2 : i32
    %eq3A_176 = arith.cmpi eq, %arg0, %eq3A_175 : i32
    %convert_element_type3A_177 = arith.extui %eq3A_176 : i1 to i32
    %cond3A_178 = arith.constant 0 : i32
    %cond3A_179 = arith.cmpi ne, %convert_element_type3A_177, %cond3A_178 : i32
    scf.if %cond3A_179 {
      %get3A = arith.constant 104 : index
      %get3A_205 = arith.constant 0 : index
      %get3A_206 = vector.load %arg7[%get3A, %get3A_205] : memref<152x768xf32, #tpu.memory_space<vmem>>, vector<8x768xf32>
      %swap3A = arith.constant 675 : index
      %swap3A_207 = arith.constant 0 : index
      %swap3A_208 = vector.load %arg4[%swap3A, %swap3A_207] : memref<1024x768xf32, #tpu.memory_space<vmem>>, vector<8x768xf32>
      tpu.vector_store %arg4[%swap3A, %swap3A_207], %get3A_206 {strides = array<i32>} : memref<1024x768xf32, #tpu.memory_space<vmem>>, vector<8x768xf32>,
    } else {
    }
    %eq3A_180 = arith.constant 2 : i32
    %eq3A_181 = arith.cmpi eq, %arg0, %eq3A_180 : i32
    %convert_element_type3A_182 = arith.extui %eq3A_181 : i1 to i32
    %cond3A_183 = arith.constant 0 : i32
    %cond3A_184 = arith.cmpi ne, %convert_element_type3A_182, %cond3A_183 : i32
    scf.if %cond3A_184 {
      %get3A = arith.constant 112 : index
      %get3A_205 = arith.constant 0 : index
      %get3A_206 = vector.load %arg7[%get3A, %get3A_205] : memref<152x768xf32, #tpu.memory_space<vmem>>, vector<8x768xf32>
      %swap3A = arith.constant 705 : index
      %swap3A_207 = arith.constant 0 : index
      %swap3A_208 = vector.load %arg4[%swap3A, %swap3A_207] : memref<1024x768xf32, #tpu.memory_space<vmem>>, vector<8x768xf32>
      tpu.vector_store %arg4[%swap3A, %swap3A_207], %get3A_206 {strides = array<i32>} : memref<1024x768xf32, #tpu.memory_space<vmem>>, vector<8x768xf32>,
    } else {
    }
    %eq3A_185 = arith.constant 2 : i32
    %eq3A_186 = arith.cmpi eq, %arg0, %eq3A_185 : i32
    %convert_element_type3A_187 = arith.extui %eq3A_186 : i1 to i32
    %cond3A_188 = arith.constant 0 : i32
    %cond3A_189 = arith.cmpi ne, %convert_element_type3A_187, %cond3A_188 : i32
    scf.if %cond3A_189 {
      %get3A = arith.constant 120 : index
      %get3A_205 = arith.constant 0 : index
      %get3A_206 = vector.load %arg7[%get3A, %get3A_205] : memref<152x768xf32, #tpu.memory_space<vmem>>, vector<8x768xf32>
      %swap3A = arith.constant 799 : index
      %swap3A_207 = arith.constant 0 : index
      %swap3A_208 = vector.load %arg4[%swap3A, %swap3A_207] : memref<1024x768xf32, #tpu.memory_space<vmem>>, vector<8x768xf32>
      tpu.vector_store %arg4[%swap3A, %swap3A_207], %get3A_206 {strides = array<i32>} : memref<1024x768xf32, #tpu.memory_space<vmem>>, vector<8x768xf32>,
    } else {
    }
    %eq3A_190 = arith.constant 2 : i32
    %eq3A_191 = arith.cmpi eq, %arg0, %eq3A_190 : i32
    %convert_element_type3A_192 = arith.extui %eq3A_191 : i1 to i32
    %cond3A_193 = arith.constant 0 : i32
    %cond3A_194 = arith.cmpi ne, %convert_element_type3A_192, %cond3A_193 : i32
    scf.if %cond3A_194 {
      %get3A = arith.constant 128 : index
      %get3A_205 = arith.constant 0 : index
      %get3A_206 = vector.load %arg7[%get3A, %get3A_205] : memref<152x768xf32, #tpu.memory_space<vmem>>, vector<8x768xf32>
      %swap3A = arith.constant 856 : index
      %swap3A_207 = arith.constant 0 : index
      %swap3A_208 = vector.load %arg4[%swap3A, %swap3A_207] : memref<1024x768xf32, #tpu.memory_space<vmem>>, vector<8x768xf32>
      tpu.vector_store %arg4[%swap3A, %swap3A_207], %get3A_206 {strides = array<i32>} : memref<1024x768xf32, #tpu.memory_space<vmem>>, vector<8x768xf32>,
    } else {
    }
    %eq3A_195 = arith.constant 2 : i32
    %eq3A_196 = arith.cmpi eq, %arg0, %eq3A_195 : i32
    %convert_element_type3A_197 = arith.extui %eq3A_196 : i1 to i32
    %cond3A_198 = arith.constant 0 : i32
    %cond3A_199 = arith.cmpi ne, %convert_element_type3A_197, %cond3A_198 : i32
    scf.if %cond3A_199 {
      %get3A = arith.constant 136 : index
      %get3A_205 = arith.constant 0 : index
      %get3A_206 = vector.load %arg7[%get3A, %get3A_205] : memref<152x768xf32, #tpu.memory_space<vmem>>, vector<8x768xf32>
      %swap3A = arith.constant 953 : index
      %swap3A_207 = arith.constant 0 : index
      %swap3A_208 = vector.load %arg4[%swap3A, %swap3A_207] : memref<1024x768xf32, #tpu.memory_space<vmem>>, vector<8x768xf32>
      tpu.vector_store %arg4[%swap3A, %swap3A_207], %get3A_206 {strides = array<i32>} : memref<1024x768xf32, #tpu.memory_space<vmem>>, vector<8x768xf32>,
    } else {
    }
    %eq3A_200 = arith.constant 2 : i32
    %eq3A_201 = arith.cmpi eq, %arg0, %eq3A_200 : i32
    %convert_element_type3A_202 = arith.extui %eq3A_201 : i1 to i32
    %cond3A_203 = arith.constant 0 : i32
    %cond3A_204 = arith.cmpi ne, %convert_element_type3A_202, %cond3A_203 : i32
    scf.if %cond3A_204 {
      %get3A = arith.constant 144 : index
      %get3A_205 = arith.constant 0 : index
      %get3A_206 = vector.load %arg7[%get3A, %get3A_205] : memref<152x768xf32, #tpu.memory_space<vmem>>, vector<8x768xf32>
      %swap3A = arith.constant 958 : index
      %swap3A_207 = arith.constant 0 : index
      %swap3A_208 = vector.load %arg4[%swap3A, %swap3A_207] : memref<1024x768xf32, #tpu.memory_space<vmem>>, vector<8x768xf32>
      tpu.vector_store %arg4[%swap3A, %swap3A_207], %get3A_206 {strides = array<i32>} : memref<1024x768xf32, #tpu.memory_space<vmem>>, vector<8x768xf32>,
    } else {
    }
    return
  }
  func.func @transform_0(%arg0: i32) -> (i32, i32) {
    %min3A = arith.constant 1 : i32
    %min3A_0 = arith.minsi %arg0, %min3A : i32
    %c0_i32 = arith.constant 0 : i32
    %c0_i32_1 = arith.constant 0 : i32
    return %min3A_0, %c0_i32 : i32, i32
  }
  func.func @transform_1(%arg0: i32) -> (i32, i32) {
    %c0_i32 = arith.constant 0 : i32
    %c0_i32_0 = arith.constant 0 : i32
    %c0_i32_1 = arith.constant 0 : i32
    return %c0_i32, %c0_i32_0 : i32, i32
  }
  func.func @transform_2(%arg0: i32) -> (i32, i32) {
    %c0_i32 = arith.constant 0 : i32
    %c0_i32_0 = arith.constant 0 : i32
    %c0_i32_1 = arith.constant 0 : i32
    return %c0_i32, %c0_i32_0 : i32, i32
  }
  func.func @transform_3(%arg0: i32) -> (i32, i32) {
    %sub3A = arith.constant 1 : i32
    %sub3A_0 = arith.subi %arg0, %sub3A : i32
    %max3A = arith.constant 0 : i32
    %max3A_1 = arith.maxsi %sub3A_0, %max3A : i32
    %c0_i32 = arith.constant 0 : i32
    %c0_i32_2 = arith.constant 0 : i32
    return %max3A_1, %c0_i32 : i32, i32
  }
}

</mosaic_0001>

<sc_bundles>
// kernel: kernel.4.cloned.1.call-start
scs
__scs_entry_jumppad:
0x0: {  	(pc) =	sbr.rel $0x88, $3  }
0x1: {  	(tag) =	ssettag $0x0;
	lr =	simm.s32 $0x1  }
0x2: {  	[smem:$0x3F9E] =	sst lr;
	_ =	strace $0xD0000000  }
0x3: {  	_ = 	snop  }
0x4: {  	_ = 	snop  }
0x5: {  	_ = 	snop  }
0x6: {  	_ = 	snop  }
0x7: {  	_ = 	snop  }
__scs_overlays_trampoline_lowered:
0x8: {  	[smem:$0x3FAD] =	sst s0  }
0x9: {  	[smem:$0x3FAE] =	sst s1  }
0xa: {  	[smem:$0x3FAF] =	sst s2  }
0xb: {  	[smem:$0x3FB0] =	sst s3  }
0xc: {  	[smem:$0x3FB1] =	sst s4  }
0xd: {  	[smem:$0x3FB2] =	sst s5  }
0xe: {  	[smem:$0x3FB3] =	sst s6  }
0xf: {  	[smem:$0x3FB4] =	sst s7  }
0x10: {  	[smem:$0x3FB5] =	sst s8  }
0x11: {  	[smem:$0x3FB6] =	sst s9;
	s0 =	simm.s32 @!p0 $0x0  }
0x12: {  	s1 =	sld [smem:$0x3F9C];
	s0 =	simm.s32 @p0 $0x1  }
0x13: {  	[smem:$0x3FB7] =	sst s0;
	s0 =	simm.s32 @!p1 $0x0  }
0x14: {  	s2 =	sld [smem:$0x3F9B];
	s0 =	simm.s32 @p1 $0x1  }
0x15: {  	[smem:$0x3FB8] =	sst s0;
	s0 =	simm.s32 @!p2 $0x0  }
0x16: {  	s3 =	sld [smem:$0x3FDB];
	s0 =	simm.s32 @p2 $0x1  }
0x17: {  	s4 =	simm.s32 $0x1BF5;
	[smem:$0x3FBA] =	sst s0  }
0x18: {  	s0 =	sld [smem:$0x3F9D];
	_ =	swait.ge [sflag:s4], $0x0  }
0x19: {  	s7 =	sld [smem:$0x3F9E]  }
0x1a: {  	s8 =	sadd.s32 $0xFFFFE003, lr  }
0x1b: {  	s9 =	sadd.s32 $0xFFFFFEF7, lr;
	s5 =	simm.s32 $0xFFFFFFFF;
	p2 =	slt.u32 s8, $0xFFFFF086  }
0x1c: {  	p1 =	slt.u32 s9, $0xF7A;
	s5 =	simm.s32 @!p2 $0x0  }
0x1d: {  	s5 =	simm.s32 @p1 $0x1;
	p0 =	seq.s32 s7, s2  }
0x1e: {  	s7 =	smul.u32 @!p0 $0xF7A, s2;
	p2 =	seq.s32 @!p0 s5, $0x0  }
0x1f: {  	s9 =	smul.u32 $0xF7A, s1;
	s8 =	simm.s32 @!p0 $0x1BF5;
	p2 =	por !p2, p0  }
0x20: {  	[sflag:s8] =	ssyncset.s32 @!p0 $0xFFFFF086;
	s6 =	sadd.s32 @!p0 s3, s7;
	s7 =	simm.s32 @!p0 $0x108  }
0x21: {  	s3 =	sadd.s32 s3, s9;
	s6 =	sadd.s32 @!p0 $0x88, s6;
	s7 =	simm.s32 @p2 $0x1082  }
0x22: {  	[simem:s7], [sflag:s8] =	dma.local @!p0 [hbm:s6], $0xF7A  }
0x23: {  	s9 =	sor.u32 $0xD0000000, s2;
	s6 =	simm.s32 $0x108;
	_ =	swait.ge @!p0 [sflag:s8], $0x0  }
0x24: {  	s3 =	sadd.s32 $0x88, s3;
	s6 =	simm.s32 @!p1 $0x1082;
	[sflag:s4] =	ssyncset.s32 $0xFFFFF086  }
0x25: {  	[simem:s6], [sflag:s4] =	dma.local [hbm:s3], $0xF7A  }
0x26: {  	[smem:$0x3F9E] =	sst s1;
	(tag) =	ssettag s2;
	_ =	strace s9  }
0x27: {  	s1 =	sld [smem:$0x3FAE]  }
0x28: {  	s2 =	sld [smem:$0x3FAF]  }
0x29: {  	s4 =	sld [smem:$0x3FB1]  }
0x2a: {  	p0 =	seq.s32 s5, $0x0;
	s5 =	sld [smem:$0x3FB2]  }
0x2b: {  	s6 =	sld [smem:$0x3FB3]  }
0x2c: {  	s7 =	sld [smem:$0x3FB4]  }
0x2d: {  	s3 =	simm.s32 $0x108;
	s8 =	sld [smem:$0x3FB5]  }
0x2e: {  	s3 =	simm.s32 @!p0 $0x1082;
	s9 =	sld [smem:$0x3FB6]  }
0x2f: {  	lr =	sadd.s32 s0, s3;
	s0 =	sld [smem:$0x3FAD]  }
0x30: {  	s3 =	sld [smem:$0x3FB0]  }
0x31: {  	[smem:$0x3FB9] =	sst s10  }
0x32: {  	s10 =	sld [smem:$0x3FB7];
	_ =	sdelay $0x3  }
0x33: {  	p0 =	seq.s32 s10, $0x1;
	s10 =	sld [smem:$0x3FB9];
	_ =	sdelay $0x3  }
0x34: {  	[smem:$0x3FB9] =	sst s10  }
0x35: {  	s10 =	sld [smem:$0x3FB8];
	_ =	sdelay $0x3  }
0x36: {  	p1 =	seq.s32 s10, $0x1;
	s10 =	sld [smem:$0x3FB9];
	_ =	sdelay $0x3  }
0x37: {  	[smem:$0x3FB9] =	sst s10  }
0x38: {  	s10 =	sld [smem:$0x3FBA]  }
0x39: {  	_ = 	snop;
	(pc) =	sbr.ind lr, $3  }
0x3a: {  	_ = 	snop  }
0x3b: {  	_ = 	snop  }
0x3c: {  	p2 =	seq.s32 s10, $0x1;
	s10 =	sld [smem:$0x3FB9]  }
0x3d: {  	_ =	shalt  }
0x3e: {  	_ =	shalt  }
0x3f: {  	_ =	shalt  }
0x40: {  	_ =	shalt  }
0x41: {  	_ =	shalt  }
0x42: {  	_ =	shalt  }
0x43: {  	_ =	shalt  }
0x44: {  	_ =	shalt  }
0x45: {  	_ =	shalt  }
0x46: {  	_ =	shalt  }
0x47: {  	_ =	shalt  }
0x48: {  	_ =	shalt  }
0x49: {  	_ =	shalt  }
0x4a: {  	_ =	shalt  }
0x4b: {  	_ =	shalt  }
0x4c: {  	_ =	shalt  }
0x4d: {  	_ =	shalt  }
0x4e: {  	_ =	shalt  }
0x4f: {  	_ =	shalt  }
0x50: {  	_ =	shalt  }
0x51: {  	_ =	shalt  }
0x52: {  	_ =	shalt  }
0x53: {  	_ =	shalt  }
0x54: {  	_ =	shalt  }
0x55: {  	_ =	shalt  }
0x56: {  	_ =	shalt  }
0x57: {  	_ =	shalt  }
0x58: {  	_ =	shalt  }
0x59: {  	_ =	shalt  }
0x5a: {  	_ =	shalt  }
0x5b: {  	_ =	shalt  }
0x5c: {  	_ =	shalt  }
0x5d: {  	_ =	shalt  }
0x5e: {  	_ =	shalt  }
0x5f: {  	_ =	shalt  }
0x60: {  	_ =	shalt  }
0x61: {  	_ =	shalt  }
0x62: {  	_ =	shalt  }
0x63: {  	_ =	shalt  }
0x64: {  	_ =	shalt  }
0x65: {  	_ =	shalt  }
0x66: {  	_ =	shalt  }
0x67: {  	_ =	shalt  }
0x68: {  	_ =	shalt  }
0x69: {  	_ =	shalt  }
0x6a: {  	_ =	shalt  }
0x6b: {  	_ =	shalt  }
0x6c: {  	_ =	shalt  }
0x6d: {  	_ =	shalt  }
0x6e: {  	_ =	shalt  }
0x6f: {  	_ =	shalt  }
0x70: {  	_ =	shalt  }
0x71: {  	_ =	shalt  }
0x72: {  	_ =	shalt  }
0x73: {  	_ =	shalt  }
0x74: {  	_ =	shalt  }
0x75: {  	_ =	shalt  }
0x76: {  	_ =	shalt  }
0x77: {  	_ =	shalt  }
0x78: {  	_ =	shalt  }
0x79: {  	_ =	shalt  }
0x7a: {  	_ =	shalt  }
0x7b: {  	_ =	shalt  }
0x7c: {  	_ =	shalt  }
0x7d: {  	_ =	shalt  }
0x7e: {  	_ =	shalt  }
0x7f: {  	_ =	shalt  }
0x80: {  	_ =	shalt  }
0x81: {  	_ =	shalt  }
0x82: {  	_ =	shalt  }
0x83: {  	_ =	shalt  }
0x84: {  	_ =	shalt  }
0x85: {  	_ =	shalt  }
0x86: {  	_ =	shalt  }
0x87: {  	_ =	shalt  }
.Lfunc_end0:
.L_simem_size_0:
called_computation_lowered:
.L_overlay_start_0:
0x88: {  	s2 =	sld [smem:$0x3FD9]  }
0x89: {  	s3 =	sld [smem:$0x3FFE];
	_ =	sdelay $0x1  }
0x8a: {  	s1 =	srdreg.scid  }
0x8b: {  	s0 =	sand.u32 $0x1, s1  }
0x8c: {  	s17 =	sshll.u32 s0, $0xA;
	s2 =	sadd.s32 s3, s2  }
0x8d: {  	s2 =	sadd.s32 s2, s17  }
0x8e: {  	[smem:$0x3FC5] =	sst s2  }
0x8f: {  	_ = 	snop  }
0x90: {  	s2 =	sld [smem:$0x3FD0];
	(tm) =	ssettm $0x1  }
0x91: {  	s18 =	sld [smem:$0x3FFB];
	_ =	sdelay $0x3  }
0x92: {  	_ =	strace s18  }
0x93: {  	s3 =	sld [smem:$0x3FFC];
	_ =	sdelay $0x3  }
0x94: {  	_ =	strace s3  }
0x95: {  	s3 =	sld [smem:$0x3FFD];
	_ =	sdelay $0x3  }
0x96: {  	_ =	strace s3  }
0x97: {  	_ =	strace $0x8FFFFFFF  }
0x98: {  	s19 =	sld [smem:$0x3FDB];
	_ =	sdelay $0x1  }
0x99: {  	s4 =	simm.s32 $_scs_section_size  }
0x9a: {  	s5 =	simm.s32 $_size__tile_overlayer_lowered;
	s6 =	simm.s32 $_tile_overlayer_lowered  }
0x9b: {  	s22 =	simm.s32 $0x1BFF;
	s21 =	sshll.u32 s6, $0x1;
	s3 =	sadd.s32 s4, s19  }
0x9c: {  	s7 =	simm.s32 $0x0;
	s20 =	sshll.u32 s5, $0x1;
	s5 =	sadd.s32 s21, s3  }
0x9d: {  	[timem:s7], [sflag:s22] =	dma.local [hbm:s5], s20  }
0x9e: {  	_ =	swait.ge [sflag:s22], s20  }
0x9f: {  	s4 =	ssub.s32 $0x0, s20;
	[sflag:s22] =	ssyncset.done $0x0  }
0xa0: {  	[sflag:s22] =	ssyncadd.s32 s4;
	_ =	sdelay $0x1  }
0xa1: {  	s23 =	simm.s32 $0x1B8B  }
0xa2: {  	_ =	swait.ge [sflag:s23], $0x1  }
0xa3: {  	[sflag:s23] =	ssyncset.done $0x0  }
0xa4: {  	s25 =	simm.s32 $0x1B8E;
	s24 =	sld [smem:$0x3FFE];
	[sflag:s23] =	ssyncadd.s32 $0xFFFFFFFF  }
0xa5: {  	s26 =	simm.s32 $execute0_lowered;
	[smem:$0x3FD2] =	sst s25  }
0xa6: {  	s5 =	sshll.u32 s26, $0x1;
	_ =	strace $0x80000046;
	[dreg:$0x1] =	wrdreg $0xFFFFFFFF  }
0xa7: {  	s28 =	simm.s32 $_size_execute0_lowered;
	s3 =	sadd.s32 s3, s5;
	[dreg:$0x0] =	wrdreg $0x0  }
0xa8: {  	s5 =	sshll.u32 s28, $0x1;
	[dreg:$0x2] =	wrdreg s3  }
0xa9: {  	[dreg:$0x3] =	wrdreg s5  }
0xaa: {  	[dreg:$0x4] =	wrdreg $0xC0  }
0xab: {  	_ =	task [dreg:s7], $0x5FFFF  }
0xac: {  	[dreg:$0x1] =	wrdreg $0xFFFFFFFF  }
0xad: {  	[dreg:$0x0] =	wrdreg $0x60  }
0xae: {  	[dreg:$0x2] =	wrdreg s2  }
0xaf: {  	[dreg:$0x3] =	wrdreg s24  }
0xb0: {  	[dreg:$0x4] =	wrdreg $0x9  }
0xb1: {  	_ =	task.clear_ibuf [dreg:s7], $0x5FFFF;
	_ =	strace $0x90000046  }
0xb2: {  	s29 =	simm.s32 $0x9;
	_ =	strace $0x80000048  }
0xb3: {  	_ =	swait.ge [sflag:s29], $0x1  }
0xb4: {  	[sflag:s29] =	ssyncadd.s32 $0xFFFFFFFF  }
0xb5: {  	_ =	strace $0x90000048  }
0xb6: {  	_ =	sfence  }
0xb7: {  	s30 =	sld [smem:$0x0];
	_ =	sdelay $0x2  }
0xb8: {  	s31 =	sshll.u32 s1, $0xD;
	s1 =	sshrl.u32 s1, $0x2  }
0xb9: {  	s3 =	sand.u32 $0x4000, s31;
	s1 =	sadd.s32 s1, s30  }
0xba: {  	s0 =	sor.u32 s3, s0;
	s1 =	sshll.u32 s1, $0x11  }
0xbb: {  	s0 =	sor.u32 s1, s0  }
0xbc: {  	s0 =	sadd.s32 $0x8F2B, s0  }
0xbd: {  	[sflag:s0] =	ssyncadd.remote.s32 $0x1  }
0xbe: {  	_ =	sfence.sel $0xFFFF  }
0xbf: {  	[dreg:$0x0] =	wrdreg $0xFFFFFFFF;
	(pc) =	sbr.abs _section_cstart, $3  }
0xc0: {  	[dreg:$0x1] =	wrdreg $0xFFFFFFFF  }
0xc1: {  	_ =	task.clear_ibuf [dreg:s7], $0x2FFFF;
	_ =	strace $0x9FFFFFFF  }
0xc2: {  	(tm) =	ssettm $0x7FFFFFFF  }
0xc3: {  	_ =	shalt  }
tec
execute0_lowered:
.L_overlay_start_1:
0x0: {  	(tag) =	ssettag $0x1  }
0x1: {  	s1 =	srdreg.scid;
	s0 =	stileid.u32  }
0x2: {  	s6 =	rddreg [dreg:$0x0];
	s13 =	sand.u32 $0x1, s1;
	s30 =	sshll.u32 s0, $0x1  }
0x3: {  	s15 =	rddreg [dreg:$0x1];
	s12 =	sor.u32 s13, s30  }
0x4: {  	s2 =	simm.s32 $0x0;
	s1 =	rddreg [dreg:$0x2];
	s3 =	sshll.u32 s12, $0x1  }
0x5: {  	[smem:$0x7FF] =	sst s2;
	s3 =	sadd.s32 s3, s15  }
0x6: {  	_ =	strace $0x80000047;
	s4 =	sadd.s32 $0x31400, s3;
	s3 =	simm.s32 $0x2  }
0x7: {  	[tilespmem:s2], [sflag:$0x2] =	stream.linear.gather [hbm4b:s4+s2], $0x10, $0x38;
	[tilespmem:$0x3080] =	vst v63  }
0x8: {  	_ =	swait.ge [sflag:s3], $0x10  }
0x9: {  	[sflag:s3] =	ssyncset.done $0x0  }
0xa: {  	[sflag:s3] =	ssyncadd.s32 $0xFFFFFFF0  }
0xb: {  	v0 =	vld [tilespmem:$0x0];
	_ =	sdelay $0x4  }
0xc: {  	v1 =	vshrl.u32 v0, $0x3  }
0xd: {  	v1 =	vmul.u32 $0x30, v1  }
0xe: {  	v2 =	vlaneseq.u32;
	v3 =	vand.u32 $0x7, v0  }
0xf: {  	v4 =	vshrl.u32 v2, $0x3;
	v0 =	vand.u32 $0x7, v2;
	v3 =	vor.u32 v3, v1  }
0x10: {  	v1 =	vmul.u32 $0x8, v4;
	v63 =	vperm.xlane v3, v0;
	_ =	sdelay $0x1  }
0x11: {  	v4 =	vadd.s32 v1, v63;
	_ =	sdelay $0x2  }
0x12: {  	s5 =	sadd.s32 $0x1400, s15;
	p0 =	slt.u32 s0, $0x8;
	v2 =	vor.u32 $0x8, v2  }
0x13: {  	vm0 =	vmmov $0xffff;
	s5 =	smov.u32 @p0 s6;
	s6 =	simm.s32 $0x80;
	v3 =	vperm.xlane v3, v2  }
0x14: {  	[tilespmem:s6], [sflag:$0x1] =	stream.indirect_vreg.gather [hbm4b:s5+s2], $0x80, v4, vm0, $0xb8;
	[tilespmem:$0x3080] =	vst v63  }
0x15: {  	s8 =	simm.s32 $0x880;
	s7 =	sadd.s32 $0x100, s5;
	v3 =	vadd.s32 v1, v3  }
0x16: {  	[tilespmem:s8], [sflag:$0x1] =	stream.indirect_vreg.gather [hbm4b:s7+s2], $0x80, v4, vm0, $0xb8;
	[tilespmem:$0x3080] =	vst v63  }
0x17: {  	s10 =	simm.s32 $0x1080;
	s17 =	ssub.s32 $0x2, s13;
	s9 =	sadd.s32 $0x200, s5  }
0x18: {  	[tilespmem:s10], [sflag:$0x1] =	stream.indirect_vreg.gather [hbm4b:s9+s2], $0x80, v4, vm0, $0xb8;
	[tilespmem:$0x3080] =	vst v63  }
0x19: {  	s11 =	simm.s32 $0x1880;
	s14 =	simm.s32 $0x1;
	s18 =	sshrl.u32 s17, $0x1  }
0x1a: {  	[tilespmem:s11], [sflag:$0x1] =	stream.indirect_vreg.gather [hbm4b:s5+s2], $0x80, v3, vm0, $0xb8;
	[tilespmem:$0x3080] =	vst v63  }
0x1b: {  	s16 =	smul.u32 $0x600, s12;
	s12 =	simm.s32 $0x2080;
	s31 =	ssub.s32 s17, s18  }
0x1c: {  	[tilespmem:s12], [sflag:$0x1] =	stream.indirect_vreg.gather [hbm4b:s7+s2], $0x80, v3, vm0, $0xb8;
	[tilespmem:$0x3080] =	vst v63  }
0x1d: {  	s13 =	simm.s32 $0x2880;
	s15 =	sadd.s32 s16, s15;
	s16 =	smax.u32 s31, $0x1  }
0x1e: {  	[tilespmem:s13], [sflag:$0x1] =	stream.indirect_vreg.gather [hbm4b:s9+s2], $0x80, v3, vm0, $0xb8;
	[tilespmem:$0x3080] =	vst v63  }
0x1f: {  	p0 =	sne.s32 s16, $0x1;
	_ =	swait.ge [sflag:s14], $0x3000  }
.Ltmp0:
0x20: {  	[sflag:s14] =	ssyncset.done $0x0;
	(pc) =	sbr.rel @!p0 .LBB2_2-.Ltmp0, $4  }
0x21: {  	s15 =	sadd.s32 $0x31600, s15;
	[sflag:s14] =	ssyncadd.s32 $0xFFFFD000  }
0x22: {  	[hbm4b:s15+s2] =	stream.linear.scatter [tilespmem:s6], [sflag:$0x2], $0x3000, $0x38;
	[tilespmem:$0x3080] =	vst v63  }
0x23: {  	_ =	swait.ge [sflag:s3], $0x3000  }
0x24: {  	s16 =	sadd.s32 $0xFFFFFFFF, s16;
	[sflag:s3] =	ssyncset.done $0x0  }
.LBB2_1:
0x25: {  	p0 =	sne.s32 s16, $0x1;
	s16 =	sadd.s32 $0xFFFFFFFF, s16;
	[sflag:s3] =	ssyncadd.s32 $0xFFFFD000  }
0x26: {  	[tilespmem:s2], [sflag:$0x2] =	stream.linear.gather [hbm4b:s4+s2], $0x10, $0x38;
	[tilespmem:$0x3080] =	vst v63  }
0x27: {  	_ =	swait.ge [sflag:s3], $0x10  }
0x28: {  	[sflag:s3] =	ssyncset.done $0x0  }
0x29: {  	[sflag:s3] =	ssyncadd.s32 $0xFFFFFFF0  }
0x2a: {  	v3 =	vld [tilespmem:$0x0];
	_ =	sdelay $0x4  }
0x2b: {  	v4 =	vshrl.u32 v3, $0x3  }
0x2c: {  	v4 =	vmul.u32 $0x30, v4  }
0x2d: {  	v3 =	vand.u32 $0x7, v3  }
0x2e: {  	v3 =	vor.u32 v3, v4  }
0x2f: {  	v4 =	vperm.xlane v3, v0;
	v3 =	vperm.xlane v3, v2;
	_ =	sdelay $0x1  }
0x30: {  	v4 =	vadd.s32 v1, v4;
	_ =	sdelay $0x4  }
0x31: {  	[tilespmem:s6], [sflag:$0x1] =	stream.indirect_vreg.gather [hbm4b:s5+s2], $0x80, v4, vm0, $0xb8;
	[tilespmem:$0x3080] =	vst v63  }
0x32: {  	v3 =	vadd.s32 v1, v3  }
0x33: {  	[tilespmem:s8], [sflag:$0x1] =	stream.indirect_vreg.gather [hbm4b:s7+s2], $0x80, v4, vm0, $0xb8;
	[tilespmem:$0x3080] =	vst v63  }
0x34: {  	_ = 	snop  }
0x35: {  	[tilespmem:s10], [sflag:$0x1] =	stream.indirect_vreg.gather [hbm4b:s9+s2], $0x80, v4, vm0, $0xb8;
	[tilespmem:$0x3080] =	vst v63  }
0x36: {  	_ = 	snop  }
0x37: {  	[tilespmem:s11], [sflag:$0x1] =	stream.indirect_vreg.gather [hbm4b:s5+s2], $0x80, v3, vm0, $0xb8;
	[tilespmem:$0x3080] =	vst v63  }
0x38: {  	_ = 	snop  }
0x39: {  	[tilespmem:s12], [sflag:$0x1] =	stream.indirect_vreg.gather [hbm4b:s7+s2], $0x80, v3, vm0, $0xb8;
	[tilespmem:$0x3080] =	vst v63  }
0x3a: {  	_ = 	snop  }
0x3b: {  	[tilespmem:s13], [sflag:$0x1] =	stream.indirect_vreg.gather [hbm4b:s9+s2], $0x80, v3, vm0, $0xb8;
	[tilespmem:$0x3080] =	vst v63  }
0x3c: {  	_ =	swait.ge [sflag:s14], $0x3000  }
.Ltmp1:
0x3d: {  	[sflag:s14] =	ssyncset.done $0x0;
	(pc) =	sbr.rel @p0 .LBB2_1-.Ltmp1, $4  }
0x3e: {  	[sflag:s14] =	ssyncadd.s32 $0xFFFFD000  }
0x3f: {  	[hbm4b:s15+s2] =	stream.linear.scatter [tilespmem:s6], [sflag:$0x2], $0x3000, $0x38;
	[tilespmem:$0x3080] =	vst v63  }
0x40: {  	_ =	swait.ge [sflag:s3], $0x3000  }
0x41: {  	[sflag:s3] =	ssyncset.done $0x0  }
.LBB2_2:
0x42: {  	[sflag:s3] =	ssyncadd.s32 $0xFFFFD000  }
0x43: {  	_ =	sfence.sel $0x180000  }
0x44: {  	[bflag:$0x0] =	sbarrier.arrive $0xFFFF  }
0x45: {  	p0 =	sne.s32 s0, $0x0;
	_ =	strace $0x90000047  }
0x46: {  	s0 =	sadd.s32 @!p0 $0x100000, s1;
	[bflag:$0x2] =	sbarrier.arrive $0xFFFF  }
0x47: {  	[sflag:s0] =	ssyncadd.tile.s32 @!p0 $0x1;
	_ =	shalt  }
.Lfunc_end2:
_tile_overlayer_lowered:
.L_overlay_start_2:
0x48: {  	(tag) =	ssettag $0x2  }
0x49: {  	s0 =	rddreg [dreg:$0x0];
	s2 =	stileid.u32  }
0x4a: {  	s1 =	rddreg [dreg:$0x1];
	p0 =	sne.s32 s2, $0x0  }
0x4b: {  	s3 =	rddreg [dreg:$0x2];
	[bflag:$0x3] =	sbarrier.arrive $0xFFFF;
	s2 =	simm.s32 @!p0 $0x1C02  }
0x4c: {  	[timem:s3], [sflag:s2] =	dma.local @!p0 [hbm:s0], s1  }
0x4d: {  	s0 =	simm.s32 @!p0 $0x2  }
0x4e: {  	_ =	swait.ge @!p0 [sflag:s0], s1  }
0x4f: {  	s1 =	ssub.s32 @!p0 $0x0, s1;
	[sflag:s0] =	ssyncset.done @!p0 $0x0  }
0x50: {  	[sflag:s0] =	ssyncadd.s32 @!p0 s1  }
0x51: {  	[bflag:$0x3] =	sbarrier.arrive $0xFFFF  }
0x52: {  	_ =	shalt  }

</sc_bundles>
